<compile_context>
chip_gen: v7x
topology: tpu7x:2x2x1
jax: 0.10.2.dev20260603
libtpu: 0.0.44.dev20260713+nightly
codegen_flags: <defaults>
</compile_context>

<pallas_src>
import functools
import math

import jax
import jax.numpy as jnp
from jax import lax
from jax.experimental import pallas as pl
from jax.experimental.pallas import tpu as pltpu
from jax.experimental.pallas import tpu_sc as plsc

_B = 4096
_NW = 32
_RPW = _B // _NW
_NLIST = 50
_NCAT = 13
_NFIELD = 2 * _NLIST + _NCAT
_NDENSE = 72
_BN_SCALE = (1.0 + 1e-3) ** -0.5
_LANE = 16
_CHUNKS = _RPW // _LANE


def _body(t_l0, t_l1, t_c0, t_c1, t_c2, t_c3, t_c4, t_c5, t_c6, t_c7, t_c8,
          t_c9, t_c10, t_c11, t_c12,
          idxt_hbm, ct_hbm, w_hbm, out_hbm,
          idx_v, c_v, vals_v, w_v, out_v,
          sem_idx, sem_dense, sem_g):
    wid = lax.axis_index("s") * 2 + lax.axis_index("c")
    base = wid * _RPW
    rows = pl.ds(base, _RPW)

    cp_idx = pltpu.async_copy(idxt_hbm.at[:, rows], idx_v, sem_idx)
    cp_c = pltpu.async_copy(ct_hbm.at[:, rows], c_v, sem_dense)
    cp_w = pltpu.async_copy(w_hbm, w_v, sem_dense)

    cp_idx.wait()

    def fire_l0(j, carry):
        pltpu.async_copy(t_l0.at[idx_v.at[j]], vals_v.at[j], sem_g)
        return carry

    lax.fori_loop(0, _NLIST, fire_l0, 0)

    def fire_l1(j, carry):
        pltpu.async_copy(t_l1.at[idx_v.at[_NLIST + j]],
                         vals_v.at[_NLIST + j], sem_g)
        return carry

    lax.fori_loop(0, _NLIST, fire_l1, 0)

    for i, t in enumerate((t_c0, t_c1, t_c2, t_c3, t_c4, t_c5, t_c6, t_c7,
                           t_c8, t_c9, t_c10, t_c11, t_c12)):
        pltpu.async_copy(t.at[idx_v.at[2 * _NLIST + i]],
                         vals_v.at[2 * _NLIST + i], sem_g)

    cp_c.wait()
    cp_w.wait()

    zeros = tuple(jnp.zeros((_LANE,), jnp.float32) for _ in range(_CHUNKS))

    def dense_body(j, accs):
        w_b = w_v[j, pl.ds(0, _LANE)]
        return tuple(accs[k] + c_v[j, pl.ds(k * _LANE, _LANE)] * w_b
                     for k in range(_CHUNKS))

    dense_accs = lax.fori_loop(0, _NDENSE, dense_body, zeros)

    def drain_body(j, carry):
        pltpu.make_async_copy(t_l0.at[idx_v.at[0]], vals_v.at[0],
                              sem_g).wait()
        return carry

    lax.fori_loop(0, _NFIELD, drain_body, 0)

    def red_body(j, accs):
        return tuple(accs[k] + vals_v[j, pl.ds(k * _LANE, _LANE)]
                     for k in range(_CHUNKS))

    cat_accs = lax.fori_loop(0, _NFIELD, red_body, zeros)

    bias = (w_v[_NDENSE, pl.ds(0, _LANE)]
            + w_v[_NDENSE + 1, pl.ds(0, _LANE)])
    for k in range(_CHUNKS):
        out_v[pl.ds(k * _LANE, _LANE)] = (
            cat_accs[k] + _BN_SCALE * dense_accs[k] + bias)

    pltpu.sync_copy(out_v, out_hbm.at[pl.ds(base, _RPW)])


@jax.jit
def _run(tables, idxt, ct, w_all):
    mesh = plsc.VectorSubcoreMesh(core_axis_name="c", subcore_axis_name="s")
    kfn = pl.kernel(
        _body,
        mesh=mesh,
        out_type=jax.ShapeDtypeStruct((_B,), jnp.float32),
        scratch_types=[
            pltpu.VMEM((_RPW, _RPW), jnp.int32),
            pltpu.VMEM((_RPW, _RPW), jnp.float32),
            pltpu.VMEM((_NFIELD, _RPW), jnp.float32),
            pltpu.VMEM((80, _LANE), jnp.float32),
            pltpu.VMEM((_RPW,), jnp.float32),
            pltpu.SemaphoreType.DMA,
            pltpu.SemaphoreType.DMA,
            pltpu.SemaphoreType.DMA,
        ],
    )
    return kfn(*tables, idxt, ct, w_all)


def kernel(catlist_0, catlist_1, cat_0, cat_1, cat_2, cat_3, cat_4, cat_5,
           cat_6, cat_7, cat_8, cat_9, cat_10, cat_11, cat_12,
           cont_0, cont_1, cont_2, cont_3, cont_4, cont_5, cont_6, cont_7,
           contembd_0, contembd_1, contembd_2, contembd_3,
           table_catlist_0, table_catlist_1,
           table_cat_0, table_cat_1, table_cat_2, table_cat_3, table_cat_4,
           table_cat_5, table_cat_6, table_cat_7, table_cat_8, table_cat_9,
           table_cat_10, table_cat_11, table_cat_12,
           W1, b1, W2, b2):
    tables = [t.reshape(-1) for t in
              (table_catlist_0, table_catlist_1,
               table_cat_0, table_cat_1, table_cat_2, table_cat_3,
               table_cat_4, table_cat_5, table_cat_6, table_cat_7,
               table_cat_8, table_cat_9, table_cat_10, table_cat_11,
               table_cat_12)]

    idxt = jnp.concatenate(
        [catlist_0, catlist_1, cat_0, cat_1, cat_2, cat_3, cat_4, cat_5,
         cat_6, cat_7, cat_8, cat_9, cat_10, cat_11, cat_12,
         jnp.zeros((_B, _RPW - _NFIELD), jnp.int32)], axis=1).T

    ct = jnp.concatenate(
        [cont_0, cont_1, cont_2, cont_3, cont_4, cont_5, cont_6, cont_7,
         contembd_0, contembd_1, contembd_2, contembd_3,
         jnp.zeros((_B, _RPW - _NDENSE), jnp.float32)], axis=1).T

    w_all = jnp.concatenate(
        [W1.reshape(-1), W2.reshape(-1), b1.reshape(-1), b2.reshape(-1),
         jnp.zeros((6,), jnp.float32)])
    w_all = jnp.tile(w_all[:, None], (1, _LANE))

    out = _run(tables, idxt, ct, w_all)
    return out.reshape(_B, 1)

# --- scband reference (transcript-rebuilt; emitter-appended) ---
"""Pipeline reference for scband-lrreg-model-45183055954563 (READ-ONLY COPY).

The authoritative reference and input builder live on the scoring server;
editing this copy changes nothing except your own understanding.
"""

import jax, jax.numpy as jnp
import numpy as np

B = 4096
VOCAB = 100000
CATL = [f"catlist_{i}" for i in range(2)]
CATE = [f"cat_{i}" for i in range(13)]
CONT = [f"cont_{i}" for i in range(8)]
CONTE = [f"contembd_{i}" for i in range(4)]
BN_EPS = 1e-3


def setup_inputs(seed: int = 0) -> dict:
    key = jax.random.key(seed)
    inp = {}
    for i, name in enumerate(CATE):
        inp[name] = jax.random.randint(jax.random.fold_in(key, i), (B, 1), 0, VOCAB, dtype=jnp.int32)
    for i, name in enumerate(CATL):
        inp[name] = jax.random.randint(jax.random.fold_in(key, 100 + i), (B, 50), 0, VOCAB, dtype=jnp.int32)
    for i, name in enumerate(CONT):
        inp[name] = jax.random.normal(jax.random.fold_in(key, 200 + i), (B, 1), dtype=jnp.float32)
    for i, name in enumerate(CONTE):
        inp[name] = jax.random.normal(jax.random.fold_in(key, 300 + i), (B, 16), dtype=jnp.float32)
    for i, name in enumerate(CATL + CATE):
        inp["table_" + name] = jax.random.normal(jax.random.fold_in(key, 400 + i), (VOCAB, 1), dtype=jnp.float32) * 0.05
    inp["W1"] = jax.random.normal(jax.random.fold_in(key, 500), (8, 1), dtype=jnp.float32) * 0.1
    inp["b1"] = jnp.zeros((1,), jnp.float32)
    inp["W2"] = jax.random.normal(jax.random.fold_in(key, 501), (64, 1), dtype=jnp.float32) * 0.1
    inp["b2"] = jnp.zeros((1,), jnp.float32)
    return inp


def reference(catlist_0, catlist_1,
              cat_0, cat_1, cat_2, cat_3, cat_4, cat_5, cat_6, cat_7, cat_8,
              cat_9, cat_10, cat_11, cat_12,
              cont_0, cont_1, cont_2, cont_3, cont_4, cont_5, cont_6, cont_7,
              contembd_0, contembd_1, contembd_2, contembd_3,
              table_catlist_0, table_catlist_1,
              table_cat_0, table_cat_1, table_cat_2, table_cat_3, table_cat_4,
              table_cat_5, table_cat_6, table_cat_7, table_cat_8, table_cat_9,
              table_cat_10, table_cat_11, table_cat_12,
              W1, b1, W2, b2):
    inp = dict(locals())
    # categorical part: per-field embedding lookup (output_dim=1), concat along axis=1, sum, flatten
    embs = []
    for name in CATL + CATE:
        idx = inp[name]  # [B, L]
        embs.append(jnp.take(inp["table_" + name], idx, axis=0))  # [B, L, 1]
    cat = jnp.concatenate(embs, axis=1)  # [B, sum(L), 1]
    result = jnp.sum(cat, axis=1).reshape(B, -1)  # [B, 1]
    # continuous raw features: concat -> BN (inference: mean=0, var=1) -> dense
    c1 = jnp.concatenate([inp[n] for n in CONT], axis=-1)  # [B, 8]
    c1 = c1 / jnp.sqrt(1.0 + BN_EPS)
    result = result + (c1 @ inp["W1"] + inp["b1"]).reshape(B, -1)
    # continuous pretrained-embedding features
    c2 = jnp.concatenate([inp[n] for n in CONTE], axis=-1)  # [B, 64]
    c2 = c2 / jnp.sqrt(1.0 + BN_EPS)
    result = result + (c2 @ inp["W2"] + inp["b2"]).reshape(B, -1)
    return result

if __name__ == "__main__":
    import jax
    _d = setup_inputs()
    print(jax.jit(kernel)(*tuple(_d.values())))

</pallas_src>

<mosaic_0001>
#map = affine_map<(d0, d1) -> (0)>
#map1 = affine_map<(d0, d1) -> (0, 0)>
module attributes {stable_mosaic.version = 14 : i64} {
  func.func @_body(%arg0: i32, %arg1: i32, %arg2: memref<100000xf32, #tpu.memory_space<hbm>>, %arg3: memref<100000xf32, #tpu.memory_space<hbm>>, %arg4: memref<100000xf32, #tpu.memory_space<hbm>>, %arg5: memref<100000xf32, #tpu.memory_space<hbm>>, %arg6: memref<100000xf32, #tpu.memory_space<hbm>>, %arg7: memref<100000xf32, #tpu.memory_space<hbm>>, %arg8: memref<100000xf32, #tpu.memory_space<hbm>>, %arg9: memref<100000xf32, #tpu.memory_space<hbm>>, %arg10: memref<100000xf32, #tpu.memory_space<hbm>>, %arg11: memref<100000xf32, #tpu.memory_space<hbm>>, %arg12: memref<100000xf32, #tpu.memory_space<hbm>>, %arg13: memref<100000xf32, #tpu.memory_space<hbm>>, %arg14: memref<100000xf32, #tpu.memory_space<hbm>>, %arg15: memref<100000xf32, #tpu.memory_space<hbm>>, %arg16: memref<100000xf32, #tpu.memory_space<hbm>>, %arg17: memref<128x4096xi32, #tpu.memory_space<hbm>>, %arg18: memref<128x4096xf32, #tpu.memory_space<hbm>>, %arg19: memref<80x16xf32, #tpu.memory_space<hbm>>, %arg20: memref<4096xf32, #tpu.memory_space<hbm>>, %arg21: memref<128x128xi32, #tpu.memory_space<vmem>>, %arg22: memref<128x128xf32, #tpu.memory_space<vmem>>, %arg23: memref<113x128xf32, #tpu.memory_space<vmem>>, %arg24: memref<80x16xf32, #tpu.memory_space<vmem>>, %arg25: memref<128xf32, #tpu.memory_space<vmem>>, %arg26: memref<!tpu.dma_semaphore, #tpu.memory_space<semaphore_mem>>, %arg27: memref<!tpu.dma_semaphore, #tpu.memory_space<semaphore_mem>>, %arg28: memref<!tpu.dma_semaphore, #tpu.memory_space<semaphore_mem>>) attributes {dimension_semantics = [#tpu.dimension_semantics<core_parallel>, #tpu.dimension_semantics<subcore_parallel>], iteration_bounds = array<i64: 2, 16>, scalar_prefetch = 0 : i64, scratch_operands = 8 : i64, tpu.core_type = #tpu.core_type<sc_vector_subcore>, window_params = [{transform_indices = #map}, {transform_indices = #map}, {transform_indices = #map}, {transform_indices = #map}, {transform_indices = #map}, {transform_indices = #map}, {transform_indices = #map}, {transform_indices = #map}, {transform_indices = #map}, {transform_indices = #map}, {transform_indices = #map}, {transform_indices = #map}, {transform_indices = #map}, {transform_indices = #map}, {transform_indices = #map}, {transform_indices = #map1}, {transform_indices = #map1}, {transform_indices = #map1}, {transform_indices = #map}]} {
    %mul3A = arith.constant 2 : i32
    %mul3A_0 = arith.muli %arg1, %mul3A : i32
    %add3A = arith.addi %mul3A_0, %arg0 : i32
    %mul3A_1 = arith.constant 128 : i32
    %mul3A_2 = arith.muli %add3A, %mul3A_1 : i32
    %dma_start3A = arith.constant 0 : i32
    %dma_start3A_3 = tpu.memref_slice %arg17[%dma_start3A, %mul3A_2] : memref<128x4096xi32, #tpu.memory_space<hbm>> -> memref<128x128xi32, #tpu.memory_space<hbm>>
    %dma_start3A_4 = arith.constant 0 : i32
    %dma_start3A_5 = tpu.memref_slice %arg17[%dma_start3A_4, %mul3A_2] : memref<128x4096xi32, #tpu.memory_space<hbm>> -> memref<128x128xi32, #tpu.memory_space<hbm>>
    tpu.enqueue_dma source(%dma_start3A_5 : memref<128x128xi32, #tpu.memory_space<hbm>>) target(%arg21 : memref<128x128xi32, #tpu.memory_space<vmem>>) target_semaphore(%arg26 : memref<!tpu.dma_semaphore, #tpu.memory_space<semaphore_mem>>)
    %dma_start3A_6 = arith.constant 0 : i32
    %dma_start3A_7 = tpu.memref_slice %arg18[%dma_start3A_6, %mul3A_2] : memref<128x4096xf32, #tpu.memory_space<hbm>> -> memref<128x128xf32, #tpu.memory_space<hbm>>
    %dma_start3A_8 = arith.constant 0 : i32
    %dma_start3A_9 = tpu.memref_slice %arg18[%dma_start3A_8, %mul3A_2] : memref<128x4096xf32, #tpu.memory_space<hbm>> -> memref<128x128xf32, #tpu.memory_space<hbm>>
    tpu.enqueue_dma source(%dma_start3A_9 : memref<128x128xf32, #tpu.memory_space<hbm>>) target(%arg22 : memref<128x128xf32, #tpu.memory_space<vmem>>) target_semaphore(%arg27 : memref<!tpu.dma_semaphore, #tpu.memory_space<semaphore_mem>>)
    tpu.enqueue_dma source(%arg19 : memref<80x16xf32, #tpu.memory_space<hbm>>) target(%arg24 : memref<80x16xf32, #tpu.memory_space<vmem>>) target_semaphore(%arg27 : memref<!tpu.dma_semaphore, #tpu.memory_space<semaphore_mem>>)
    %dma_wait3A = arith.constant 0 : i32
    %dma_wait3A_10 = tpu.memref_slice %arg17[%dma_wait3A, %mul3A_2] : memref<128x4096xi32, #tpu.memory_space<hbm>> -> memref<128x128xi32, #tpu.memory_space<hbm>>
    %dma_wait3A_11 = arith.constant 0 : i32
    %dma_wait3A_12 = tpu.memref_slice %arg17[%dma_wait3A_11, %mul3A_2] : memref<128x4096xi32, #tpu.memory_space<hbm>> -> memref<128x128xi32, #tpu.memory_space<hbm>>
    tpu.wait_dma2 semaphore(%arg26 : memref<!tpu.dma_semaphore, #tpu.memory_space<semaphore_mem>>) src(%dma_wait3A_12 : memref<128x128xi32, #tpu.memory_space<hbm>>) dst(%arg21 : memref<128x128xi32, #tpu.memory_space<vmem>>)
    %scan3A = arith.constant 0 : i32
    %scan3A_13 = arith.constant 0 : i32
    %scan3A_14 = arith.constant 50 : i32
    %scan3A_15 = arith.addi %scan3A_13, %scan3A_14 : i32
    %scan3A_16 = arith.constant 1 : i32
    scf.for %scan3A_272 = %scan3A_13 to %scan3A_15 step %scan3A_16  : i32 {
      %dma_start3A_273 = arith.constant 0 : i32
      %dma_start3A_274 = tpu.memref_slice %arg23[%scan3A_272, %dma_start3A_273] : memref<113x128xf32, #tpu.memory_space<vmem>> -> memref<1x128xf32, #tpu.memory_space<vmem>>
      %dma_start3A_275 = tpu.memref_squeeze %dma_start3A_274 : memref<1x128xf32, #tpu.memory_space<vmem>> -> memref<128xf32, #tpu.memory_space<vmem>>
      %dma_start3A_276 = arith.constant 0 : i32
      %dma_start3A_277 = tpu.memref_slice %arg21[%scan3A_272, %dma_start3A_276] : memref<128x128xi32, #tpu.memory_space<vmem>> -> memref<1x128xi32, #tpu.memory_space<vmem>>
      %dma_start3A_278 = tpu.memref_squeeze %dma_start3A_277 : memref<1x128xi32, #tpu.memory_space<vmem>> -> memref<128xi32, #tpu.memory_space<vmem>>
      %dma_start3A_279 = arith.constant 0 : i32
      %dma_start3A_280 = tpu.memref_slice %arg2[%dma_start3A_279] : memref<100000xf32, #tpu.memory_space<hbm>> -> memref<100000xf32, #tpu.memory_space<hbm>>
      tpu.enqueue_indirect_dma source(%dma_start3A_280 : memref<100000xf32, #tpu.memory_space<hbm>>) target(%dma_start3A_275 : memref<128xf32, #tpu.memory_space<vmem>>) offsets(%dma_start3A_278 : memref<128xi32, #tpu.memory_space<vmem>>) semaphore(%arg28 : memref<!tpu.dma_semaphore, #tpu.memory_space<semaphore_mem>>)
    }
    %scan3A_17 = arith.constant 50 : i32
    %scan3A_18 = arith.constant 0 : i32
    %scan3A_19 = arith.constant 0 : i32
    %scan3A_20 = arith.constant 50 : i32
    %scan3A_21 = arith.addi %scan3A_19, %scan3A_20 : i32
    %scan3A_22 = arith.constant 1 : i32
    scf.for %scan3A_272 = %scan3A_19 to %scan3A_21 step %scan3A_22  : i32 {
      %add3A_273 = arith.constant 50 : i32
      %add3A_274 = arith.addi %add3A_273, %scan3A_272 : i32
      %add3A_275 = arith.constant 50 : i32
      %add3A_276 = arith.addi %add3A_275, %scan3A_272 : i32
      %dma_start3A_277 = arith.constant 0 : i32
      %dma_start3A_278 = tpu.memref_slice %arg23[%add3A_276, %dma_start3A_277] : memref<113x128xf32, #tpu.memory_space<vmem>> -> memref<1x128xf32, #tpu.memory_space<vmem>>
      %dma_start3A_279 = tpu.memref_squeeze %dma_start3A_278 : memref<1x128xf32, #tpu.memory_space<vmem>> -> memref<128xf32, #tpu.memory_space<vmem>>
      %dma_start3A_280 = arith.constant 0 : i32
      %dma_start3A_281 = tpu.memref_slice %arg21[%add3A_274, %dma_start3A_280] : memref<128x128xi32, #tpu.memory_space<vmem>> -> memref<1x128xi32, #tpu.memory_space<vmem>>
      %dma_start3A_282 = tpu.memref_squeeze %dma_start3A_281 : memref<1x128xi32, #tpu.memory_space<vmem>> -> memref<128xi32, #tpu.memory_space<vmem>>
      %dma_start3A_283 = arith.constant 0 : i32
      %dma_start3A_284 = tpu.memref_slice %arg3[%dma_start3A_283] : memref<100000xf32, #tpu.memory_space<hbm>> -> memref<100000xf32, #tpu.memory_space<hbm>>
      tpu.enqueue_indirect_dma source(%dma_start3A_284 : memref<100000xf32, #tpu.memory_space<hbm>>) target(%dma_start3A_279 : memref<128xf32, #tpu.memory_space<vmem>>) offsets(%dma_start3A_282 : memref<128xi32, #tpu.memory_space<vmem>>) semaphore(%arg28 : memref<!tpu.dma_semaphore, #tpu.memory_space<semaphore_mem>>)
    }
    %scan3A_23 = arith.constant 50 : i32
    %dma_start3A_24 = arith.constant 100 : i32
    %dma_start3A_25 = arith.constant 100 : i32
    %dma_start3A_26 = arith.constant 0 : i32
    %dma_start3A_27 = tpu.memref_slice %arg23[%dma_start3A_25, %dma_start3A_26] : memref<113x128xf32, #tpu.memory_space<vmem>> -> memref<1x128xf32, #tpu.memory_space<vmem>>
    %dma_start3A_28 = tpu.memref_squeeze %dma_start3A_27 : memref<1x128xf32, #tpu.memory_space<vmem>> -> memref<128xf32, #tpu.memory_space<vmem>>
    %dma_start3A_29 = arith.constant 0 : i32
    %dma_start3A_30 = tpu.memref_slice %arg21[%dma_start3A_24, %dma_start3A_29] : memref<128x128xi32, #tpu.memory_space<vmem>> -> memref<1x128xi32, #tpu.memory_space<vmem>>
    %dma_start3A_31 = tpu.memref_squeeze %dma_start3A_30 : memref<1x128xi32, #tpu.memory_space<vmem>> -> memref<128xi32, #tpu.memory_space<vmem>>
    %dma_start3A_32 = arith.constant 0 : i32
    %dma_start3A_33 = tpu.memref_slice %arg4[%dma_start3A_32] : memref<100000xf32, #tpu.memory_space<hbm>> -> memref<100000xf32, #tpu.memory_space<hbm>>
    tpu.enqueue_indirect_dma source(%dma_start3A_33 : memref<100000xf32, #tpu.memory_space<hbm>>) target(%dma_start3A_28 : memref<128xf32, #tpu.memory_space<vmem>>) offsets(%dma_start3A_31 : memref<128xi32, #tpu.memory_space<vmem>>) semaphore(%arg28 : memref<!tpu.dma_semaphore, #tpu.memory_space<semaphore_mem>>)
    %dma_start3A_34 = arith.constant 101 : i32
    %dma_start3A_35 = arith.constant 101 : i32
    %dma_start3A_36 = arith.constant 0 : i32
    %dma_start3A_37 = tpu.memref_slice %arg23[%dma_start3A_35, %dma_start3A_36] : memref<113x128xf32, #tpu.memory_space<vmem>> -> memref<1x128xf32, #tpu.memory_space<vmem>>
    %dma_start3A_38 = tpu.memref_squeeze %dma_start3A_37 : memref<1x128xf32, #tpu.memory_space<vmem>> -> memref<128xf32, #tpu.memory_space<vmem>>
    %dma_start3A_39 = arith.constant 0 : i32
    %dma_start3A_40 = tpu.memref_slice %arg21[%dma_start3A_34, %dma_start3A_39] : memref<128x128xi32, #tpu.memory_space<vmem>> -> memref<1x128xi32, #tpu.memory_space<vmem>>
    %dma_start3A_41 = tpu.memref_squeeze %dma_start3A_40 : memref<1x128xi32, #tpu.memory_space<vmem>> -> memref<128xi32, #tpu.memory_space<vmem>>
    %dma_start3A_42 = arith.constant 0 : i32
    %dma_start3A_43 = tpu.memref_slice %arg5[%dma_start3A_42] : memref<100000xf32, #tpu.memory_space<hbm>> -> memref<100000xf32, #tpu.memory_space<hbm>>
    tpu.enqueue_indirect_dma source(%dma_start3A_43 : memref<100000xf32, #tpu.memory_space<hbm>>) target(%dma_start3A_38 : memref<128xf32, #tpu.memory_space<vmem>>) offsets(%dma_start3A_41 : memref<128xi32, #tpu.memory_space<vmem>>) semaphore(%arg28 : memref<!tpu.dma_semaphore, #tpu.memory_space<semaphore_mem>>)
    %dma_start3A_44 = arith.constant 102 : i32
    %dma_start3A_45 = arith.constant 102 : i32
    %dma_start3A_46 = arith.constant 0 : i32
    %dma_start3A_47 = tpu.memref_slice %arg23[%dma_start3A_45, %dma_start3A_46] : memref<113x128xf32, #tpu.memory_space<vmem>> -> memref<1x128xf32, #tpu.memory_space<vmem>>
    %dma_start3A_48 = tpu.memref_squeeze %dma_start3A_47 : memref<1x128xf32, #tpu.memory_space<vmem>> -> memref<128xf32, #tpu.memory_space<vmem>>
    %dma_start3A_49 = arith.constant 0 : i32
    %dma_start3A_50 = tpu.memref_slice %arg21[%dma_start3A_44, %dma_start3A_49] : memref<128x128xi32, #tpu.memory_space<vmem>> -> memref<1x128xi32, #tpu.memory_space<vmem>>
    %dma_start3A_51 = tpu.memref_squeeze %dma_start3A_50 : memref<1x128xi32, #tpu.memory_space<vmem>> -> memref<128xi32, #tpu.memory_space<vmem>>
    %dma_start3A_52 = arith.constant 0 : i32
    %dma_start3A_53 = tpu.memref_slice %arg6[%dma_start3A_52] : memref<100000xf32, #tpu.memory_space<hbm>> -> memref<100000xf32, #tpu.memory_space<hbm>>
    tpu.enqueue_indirect_dma source(%dma_start3A_53 : memref<100000xf32, #tpu.memory_space<hbm>>) target(%dma_start3A_48 : memref<128xf32, #tpu.memory_space<vmem>>) offsets(%dma_start3A_51 : memref<128xi32, #tpu.memory_space<vmem>>) semaphore(%arg28 : memref<!tpu.dma_semaphore, #tpu.memory_space<semaphore_mem>>)
    %dma_start3A_54 = arith.constant 103 : i32
    %dma_start3A_55 = arith.constant 103 : i32
    %dma_start3A_56 = arith.constant 0 : i32
    %dma_start3A_57 = tpu.memref_slice %arg23[%dma_start3A_55, %dma_start3A_56] : memref<113x128xf32, #tpu.memory_space<vmem>> -> memref<1x128xf32, #tpu.memory_space<vmem>>
    %dma_start3A_58 = tpu.memref_squeeze %dma_start3A_57 : memref<1x128xf32, #tpu.memory_space<vmem>> -> memref<128xf32, #tpu.memory_space<vmem>>
    %dma_start3A_59 = arith.constant 0 : i32
    %dma_start3A_60 = tpu.memref_slice %arg21[%dma_start3A_54, %dma_start3A_59] : memref<128x128xi32, #tpu.memory_space<vmem>> -> memref<1x128xi32, #tpu.memory_space<vmem>>
    %dma_start3A_61 = tpu.memref_squeeze %dma_start3A_60 : memref<1x128xi32, #tpu.memory_space<vmem>> -> memref<128xi32, #tpu.memory_space<vmem>>
    %dma_start3A_62 = arith.constant 0 : i32
    %dma_start3A_63 = tpu.memref_slice %arg7[%dma_start3A_62] : memref<100000xf32, #tpu.memory_space<hbm>> -> memref<100000xf32, #tpu.memory_space<hbm>>
    tpu.enqueue_indirect_dma source(%dma_start3A_63 : memref<100000xf32, #tpu.memory_space<hbm>>) target(%dma_start3A_58 : memref<128xf32, #tpu.memory_space<vmem>>) offsets(%dma_start3A_61 : memref<128xi32, #tpu.memory_space<vmem>>) semaphore(%arg28 : memref<!tpu.dma_semaphore, #tpu.memory_space<semaphore_mem>>)
    %dma_start3A_64 = arith.constant 104 : i32
    %dma_start3A_65 = arith.constant 104 : i32
    %dma_start3A_66 = arith.constant 0 : i32
    %dma_start3A_67 = tpu.memref_slice %arg23[%dma_start3A_65, %dma_start3A_66] : memref<113x128xf32, #tpu.memory_space<vmem>> -> memref<1x128xf32, #tpu.memory_space<vmem>>
    %dma_start3A_68 = tpu.memref_squeeze %dma_start3A_67 : memref<1x128xf32, #tpu.memory_space<vmem>> -> memref<128xf32, #tpu.memory_space<vmem>>
    %dma_start3A_69 = arith.constant 0 : i32
    %dma_start3A_70 = tpu.memref_slice %arg21[%dma_start3A_64, %dma_start3A_69] : memref<128x128xi32, #tpu.memory_space<vmem>> -> memref<1x128xi32, #tpu.memory_space<vmem>>
    %dma_start3A_71 = tpu.memref_squeeze %dma_start3A_70 : memref<1x128xi32, #tpu.memory_space<vmem>> -> memref<128xi32, #tpu.memory_space<vmem>>
    %dma_start3A_72 = arith.constant 0 : i32
    %dma_start3A_73 = tpu.memref_slice %arg8[%dma_start3A_72] : memref<100000xf32, #tpu.memory_space<hbm>> -> memref<100000xf32, #tpu.memory_space<hbm>>
    tpu.enqueue_indirect_dma source(%dma_start3A_73 : memref<100000xf32, #tpu.memory_space<hbm>>) target(%dma_start3A_68 : memref<128xf32, #tpu.memory_space<vmem>>) offsets(%dma_start3A_71 : memref<128xi32, #tpu.memory_space<vmem>>) semaphore(%arg28 : memref<!tpu.dma_semaphore, #tpu.memory_space<semaphore_mem>>)
    %dma_start3A_74 = arith.constant 105 : i32
    %dma_start3A_75 = arith.constant 105 : i32
    %dma_start3A_76 = arith.constant 0 : i32
    %dma_start3A_77 = tpu.memref_slice %arg23[%dma_start3A_75, %dma_start3A_76] : memref<113x128xf32, #tpu.memory_space<vmem>> -> memref<1x128xf32, #tpu.memory_space<vmem>>
    %dma_start3A_78 = tpu.memref_squeeze %dma_start3A_77 : memref<1x128xf32, #tpu.memory_space<vmem>> -> memref<128xf32, #tpu.memory_space<vmem>>
    %dma_start3A_79 = arith.constant 0 : i32
    %dma_start3A_80 = tpu.memref_slice %arg21[%dma_start3A_74, %dma_start3A_79] : memref<128x128xi32, #tpu.memory_space<vmem>> -> memref<1x128xi32, #tpu.memory_space<vmem>>
    %dma_start3A_81 = tpu.memref_squeeze %dma_start3A_80 : memref<1x128xi32, #tpu.memory_space<vmem>> -> memref<128xi32, #tpu.memory_space<vmem>>
    %dma_start3A_82 = arith.constant 0 : i32
    %dma_start3A_83 = tpu.memref_slice %arg9[%dma_start3A_82] : memref<100000xf32, #tpu.memory_space<hbm>> -> memref<100000xf32, #tpu.memory_space<hbm>>
    tpu.enqueue_indirect_dma source(%dma_start3A_83 : memref<100000xf32, #tpu.memory_space<hbm>>) target(%dma_start3A_78 : memref<128xf32, #tpu.memory_space<vmem>>) offsets(%dma_start3A_81 : memref<128xi32, #tpu.memory_space<vmem>>) semaphore(%arg28 : memref<!tpu.dma_semaphore, #tpu.memory_space<semaphore_mem>>)
    %dma_start3A_84 = arith.constant 106 : i32
    %dma_start3A_85 = arith.constant 106 : i32
    %dma_start3A_86 = arith.constant 0 : i32
    %dma_start3A_87 = tpu.memref_slice %arg23[%dma_start3A_85, %dma_start3A_86] : memref<113x128xf32, #tpu.memory_space<vmem>> -> memref<1x128xf32, #tpu.memory_space<vmem>>
    %dma_start3A_88 = tpu.memref_squeeze %dma_start3A_87 : memref<1x128xf32, #tpu.memory_space<vmem>> -> memref<128xf32, #tpu.memory_space<vmem>>
    %dma_start3A_89 = arith.constant 0 : i32
    %dma_start3A_90 = tpu.memref_slice %arg21[%dma_start3A_84, %dma_start3A_89] : memref<128x128xi32, #tpu.memory_space<vmem>> -> memref<1x128xi32, #tpu.memory_space<vmem>>
    %dma_start3A_91 = tpu.memref_squeeze %dma_start3A_90 : memref<1x128xi32, #tpu.memory_space<vmem>> -> memref<128xi32, #tpu.memory_space<vmem>>
    %dma_start3A_92 = arith.constant 0 : i32
    %dma_start3A_93 = tpu.memref_slice %arg10[%dma_start3A_92] : memref<100000xf32, #tpu.memory_space<hbm>> -> memref<100000xf32, #tpu.memory_space<hbm>>
    tpu.enqueue_indirect_dma source(%dma_start3A_93 : memref<100000xf32, #tpu.memory_space<hbm>>) target(%dma_start3A_88 : memref<128xf32, #tpu.memory_space<vmem>>) offsets(%dma_start3A_91 : memref<128xi32, #tpu.memory_space<vmem>>) semaphore(%arg28 : memref<!tpu.dma_semaphore, #tpu.memory_space<semaphore_mem>>)
    %dma_start3A_94 = arith.constant 107 : i32
    %dma_start3A_95 = arith.constant 107 : i32
    %dma_start3A_96 = arith.constant 0 : i32
    %dma_start3A_97 = tpu.memref_slice %arg23[%dma_start3A_95, %dma_start3A_96] : memref<113x128xf32, #tpu.memory_space<vmem>> -> memref<1x128xf32, #tpu.memory_space<vmem>>
    %dma_start3A_98 = tpu.memref_squeeze %dma_start3A_97 : memref<1x128xf32, #tpu.memory_space<vmem>> -> memref<128xf32, #tpu.memory_space<vmem>>
    %dma_start3A_99 = arith.constant 0 : i32
    %dma_start3A_100 = tpu.memref_slice %arg21[%dma_start3A_94, %dma_start3A_99] : memref<128x128xi32, #tpu.memory_space<vmem>> -> memref<1x128xi32, #tpu.memory_space<vmem>>
    %dma_start3A_101 = tpu.memref_squeeze %dma_start3A_100 : memref<1x128xi32, #tpu.memory_space<vmem>> -> memref<128xi32, #tpu.memory_space<vmem>>
    %dma_start3A_102 = arith.constant 0 : i32
    %dma_start3A_103 = tpu.memref_slice %arg11[%dma_start3A_102] : memref<100000xf32, #tpu.memory_space<hbm>> -> memref<100000xf32, #tpu.memory_space<hbm>>
    tpu.enqueue_indirect_dma source(%dma_start3A_103 : memref<100000xf32, #tpu.memory_space<hbm>>) target(%dma_start3A_98 : memref<128xf32, #tpu.memory_space<vmem>>) offsets(%dma_start3A_101 : memref<128xi32, #tpu.memory_space<vmem>>) semaphore(%arg28 : memref<!tpu.dma_semaphore, #tpu.memory_space<semaphore_mem>>)
    %dma_start3A_104 = arith.constant 108 : i32
    %dma_start3A_105 = arith.constant 108 : i32
    %dma_start3A_106 = arith.constant 0 : i32
    %dma_start3A_107 = tpu.memref_slice %arg23[%dma_start3A_105, %dma_start3A_106] : memref<113x128xf32, #tpu.memory_space<vmem>> -> memref<1x128xf32, #tpu.memory_space<vmem>>
    %dma_start3A_108 = tpu.memref_squeeze %dma_start3A_107 : memref<1x128xf32, #tpu.memory_space<vmem>> -> memref<128xf32, #tpu.memory_space<vmem>>
    %dma_start3A_109 = arith.constant 0 : i32
    %dma_start3A_110 = tpu.memref_slice %arg21[%dma_start3A_104, %dma_start3A_109] : memref<128x128xi32, #tpu.memory_space<vmem>> -> memref<1x128xi32, #tpu.memory_space<vmem>>
    %dma_start3A_111 = tpu.memref_squeeze %dma_start3A_110 : memref<1x128xi32, #tpu.memory_space<vmem>> -> memref<128xi32, #tpu.memory_space<vmem>>
    %dma_start3A_112 = arith.constant 0 : i32
    %dma_start3A_113 = tpu.memref_slice %arg12[%dma_start3A_112] : memref<100000xf32, #tpu.memory_space<hbm>> -> memref<100000xf32, #tpu.memory_space<hbm>>
    tpu.enqueue_indirect_dma source(%dma_start3A_113 : memref<100000xf32, #tpu.memory_space<hbm>>) target(%dma_start3A_108 : memref<128xf32, #tpu.memory_space<vmem>>) offsets(%dma_start3A_111 : memref<128xi32, #tpu.memory_space<vmem>>) semaphore(%arg28 : memref<!tpu.dma_semaphore, #tpu.memory_space<semaphore_mem>>)
    %dma_start3A_114 = arith.constant 109 : i32
    %dma_start3A_115 = arith.constant 109 : i32
    %dma_start3A_116 = arith.constant 0 : i32
    %dma_start3A_117 = tpu.memref_slice %arg23[%dma_start3A_115, %dma_start3A_116] : memref<113x128xf32, #tpu.memory_space<vmem>> -> memref<1x128xf32, #tpu.memory_space<vmem>>
    %dma_start3A_118 = tpu.memref_squeeze %dma_start3A_117 : memref<1x128xf32, #tpu.memory_space<vmem>> -> memref<128xf32, #tpu.memory_space<vmem>>
    %dma_start3A_119 = arith.constant 0 : i32
    %dma_start3A_120 = tpu.memref_slice %arg21[%dma_start3A_114, %dma_start3A_119] : memref<128x128xi32, #tpu.memory_space<vmem>> -> memref<1x128xi32, #tpu.memory_space<vmem>>
    %dma_start3A_121 = tpu.memref_squeeze %dma_start3A_120 : memref<1x128xi32, #tpu.memory_space<vmem>> -> memref<128xi32, #tpu.memory_space<vmem>>
    %dma_start3A_122 = arith.constant 0 : i32
    %dma_start3A_123 = tpu.memref_slice %arg13[%dma_start3A_122] : memref<100000xf32, #tpu.memory_space<hbm>> -> memref<100000xf32, #tpu.memory_space<hbm>>
    tpu.enqueue_indirect_dma source(%dma_start3A_123 : memref<100000xf32, #tpu.memory_space<hbm>>) target(%dma_start3A_118 : memref<128xf32, #tpu.memory_space<vmem>>) offsets(%dma_start3A_121 : memref<128xi32, #tpu.memory_space<vmem>>) semaphore(%arg28 : memref<!tpu.dma_semaphore, #tpu.memory_space<semaphore_mem>>)
    %dma_start3A_124 = arith.constant 110 : i32
    %dma_start3A_125 = arith.constant 110 : i32
    %dma_start3A_126 = arith.constant 0 : i32
    %dma_start3A_127 = tpu.memref_slice %arg23[%dma_start3A_125, %dma_start3A_126] : memref<113x128xf32, #tpu.memory_space<vmem>> -> memref<1x128xf32, #tpu.memory_space<vmem>>
    %dma_start3A_128 = tpu.memref_squeeze %dma_start3A_127 : memref<1x128xf32, #tpu.memory_space<vmem>> -> memref<128xf32, #tpu.memory_space<vmem>>
    %dma_start3A_129 = arith.constant 0 : i32
    %dma_start3A_130 = tpu.memref_slice %arg21[%dma_start3A_124, %dma_start3A_129] : memref<128x128xi32, #tpu.memory_space<vmem>> -> memref<1x128xi32, #tpu.memory_space<vmem>>
    %dma_start3A_131 = tpu.memref_squeeze %dma_start3A_130 : memref<1x128xi32, #tpu.memory_space<vmem>> -> memref<128xi32, #tpu.memory_space<vmem>>
    %dma_start3A_132 = arith.constant 0 : i32
    %dma_start3A_133 = tpu.memref_slice %arg14[%dma_start3A_132] : memref<100000xf32, #tpu.memory_space<hbm>> -> memref<100000xf32, #tpu.memory_space<hbm>>
    tpu.enqueue_indirect_dma source(%dma_start3A_133 : memref<100000xf32, #tpu.memory_space<hbm>>) target(%dma_start3A_128 : memref<128xf32, #tpu.memory_space<vmem>>) offsets(%dma_start3A_131 : memref<128xi32, #tpu.memory_space<vmem>>) semaphore(%arg28 : memref<!tpu.dma_semaphore, #tpu.memory_space<semaphore_mem>>)
    %dma_start3A_134 = arith.constant 111 : i32
    %dma_start3A_135 = arith.constant 111 : i32
    %dma_start3A_136 = arith.constant 0 : i32
    %dma_start3A_137 = tpu.memref_slice %arg23[%dma_start3A_135, %dma_start3A_136] : memref<113x128xf32, #tpu.memory_space<vmem>> -> memref<1x128xf32, #tpu.memory_space<vmem>>
    %dma_start3A_138 = tpu.memref_squeeze %dma_start3A_137 : memref<1x128xf32, #tpu.memory_space<vmem>> -> memref<128xf32, #tpu.memory_space<vmem>>
    %dma_start3A_139 = arith.constant 0 : i32
    %dma_start3A_140 = tpu.memref_slice %arg21[%dma_start3A_134, %dma_start3A_139] : memref<128x128xi32, #tpu.memory_space<vmem>> -> memref<1x128xi32, #tpu.memory_space<vmem>>
    %dma_start3A_141 = tpu.memref_squeeze %dma_start3A_140 : memref<1x128xi32, #tpu.memory_space<vmem>> -> memref<128xi32, #tpu.memory_space<vmem>>
    %dma_start3A_142 = arith.constant 0 : i32
    %dma_start3A_143 = tpu.memref_slice %arg15[%dma_start3A_142] : memref<100000xf32, #tpu.memory_space<hbm>> -> memref<100000xf32, #tpu.memory_space<hbm>>
    tpu.enqueue_indirect_dma source(%dma_start3A_143 : memref<100000xf32, #tpu.memory_space<hbm>>) target(%dma_start3A_138 : memref<128xf32, #tpu.memory_space<vmem>>) offsets(%dma_start3A_141 : memref<128xi32, #tpu.memory_space<vmem>>) semaphore(%arg28 : memref<!tpu.dma_semaphore, #tpu.memory_space<semaphore_mem>>)
    %dma_start3A_144 = arith.constant 112 : i32
    %dma_start3A_145 = arith.constant 112 : i32
    %dma_start3A_146 = arith.constant 0 : i32
    %dma_start3A_147 = tpu.memref_slice %arg23[%dma_start3A_145, %dma_start3A_146] : memref<113x128xf32, #tpu.memory_space<vmem>> -> memref<1x128xf32, #tpu.memory_space<vmem>>
    %dma_start3A_148 = tpu.memref_squeeze %dma_start3A_147 : memref<1x128xf32, #tpu.memory_space<vmem>> -> memref<128xf32, #tpu.memory_space<vmem>>
    %dma_start3A_149 = arith.constant 0 : i32
    %dma_start3A_150 = tpu.memref_slice %arg21[%dma_start3A_144, %dma_start3A_149] : memref<128x128xi32, #tpu.memory_space<vmem>> -> memref<1x128xi32, #tpu.memory_space<vmem>>
    %dma_start3A_151 = tpu.memref_squeeze %dma_start3A_150 : memref<1x128xi32, #tpu.memory_space<vmem>> -> memref<128xi32, #tpu.memory_space<vmem>>
    %dma_start3A_152 = arith.constant 0 : i32
    %dma_start3A_153 = tpu.memref_slice %arg16[%dma_start3A_152] : memref<100000xf32, #tpu.memory_space<hbm>> -> memref<100000xf32, #tpu.memory_space<hbm>>
    tpu.enqueue_indirect_dma source(%dma_start3A_153 : memref<100000xf32, #tpu.memory_space<hbm>>) target(%dma_start3A_148 : memref<128xf32, #tpu.memory_space<vmem>>) offsets(%dma_start3A_151 : memref<128xi32, #tpu.memory_space<vmem>>) semaphore(%arg28 : memref<!tpu.dma_semaphore, #tpu.memory_space<semaphore_mem>>)
    %dma_wait3A_154 = arith.constant 0 : i32
    %dma_wait3A_155 = tpu.memref_slice %arg18[%dma_wait3A_154, %mul3A_2] : memref<128x4096xf32, #tpu.memory_space<hbm>> -> memref<128x128xf32, #tpu.memory_space<hbm>>
    %dma_wait3A_156 = arith.constant 0 : i32
    %dma_wait3A_157 = tpu.memref_slice %arg18[%dma_wait3A_156, %mul3A_2] : memref<128x4096xf32, #tpu.memory_space<hbm>> -> memref<128x128xf32, #tpu.memory_space<hbm>>
    tpu.wait_dma2 semaphore(%arg27 : memref<!tpu.dma_semaphore, #tpu.memory_space<semaphore_mem>>) src(%dma_wait3A_157 : memref<128x128xf32, #tpu.memory_space<hbm>>) dst(%arg22 : memref<128x128xf32, #tpu.memory_space<vmem>>)
    tpu.wait_dma2 semaphore(%arg27 : memref<!tpu.dma_semaphore, #tpu.memory_space<semaphore_mem>>) src(%arg19 : memref<80x16xf32, #tpu.memory_space<hbm>>) dst(%arg24 : memref<80x16xf32, #tpu.memory_space<vmem>>)
    %broadcast_in_dim3A = arith.constant 0.000000e+00 : f32
    %broadcast_in_dim3A_158 = vector.broadcast %broadcast_in_dim3A : f32 to vector<16xf32>
    %broadcast_in_dim3A_159 = arith.constant 0.000000e+00 : f32
    %broadcast_in_dim3A_160 = vector.broadcast %broadcast_in_dim3A_159 : f32 to vector<16xf32>
    %broadcast_in_dim3A_161 = arith.constant 0.000000e+00 : f32
    %broadcast_in_dim3A_162 = vector.broadcast %broadcast_in_dim3A_161 : f32 to vector<16xf32>
    %broadcast_in_dim3A_163 = arith.constant 0.000000e+00 : f32
    %broadcast_in_dim3A_164 = vector.broadcast %broadcast_in_dim3A_163 : f32 to vector<16xf32>
    %broadcast_in_dim3A_165 = arith.constant 0.000000e+00 : f32
    %broadcast_in_dim3A_166 = vector.broadcast %broadcast_in_dim3A_165 : f32 to vector<16xf32>
    %broadcast_in_dim3A_167 = arith.constant 0.000000e+00 : f32
    %broadcast_in_dim3A_168 = vector.broadcast %broadcast_in_dim3A_167 : f32 to vector<16xf32>
    %broadcast_in_dim3A_169 = arith.constant 0.000000e+00 : f32
    %broadcast_in_dim3A_170 = vector.broadcast %broadcast_in_dim3A_169 : f32 to vector<16xf32>
    %broadcast_in_dim3A_171 = arith.constant 0.000000e+00 : f32
    %broadcast_in_dim3A_172 = vector.broadcast %broadcast_in_dim3A_171 : f32 to vector<16xf32>
    %scan3A_173 = arith.constant 0 : i32
    %scan3A_174 = arith.constant 72 : i32
    %scan3A_175 = arith.addi %scan3A_173, %scan3A_174 : i32
    %scan3A_176 = arith.constant 1 : i32
    %scan3A_177:8 = scf.for %scan3A_272 = %scan3A_173 to %scan3A_175 step %scan3A_176 iter_args(%scan3A_273 = %broadcast_in_dim3A_158, %scan3A_274 = %broadcast_in_dim3A_160, %scan3A_275 = %broadcast_in_dim3A_162, %scan3A_276 = %broadcast_in_dim3A_164, %scan3A_277 = %broadcast_in_dim3A_166, %scan3A_278 = %broadcast_in_dim3A_168, %scan3A_279 = %broadcast_in_dim3A_170, %scan3A_280 = %broadcast_in_dim3A_172) -> (vector<16xf32>, vector<16xf32>, vector<16xf32>, vector<16xf32>, vector<16xf32>, vector<16xf32>, vector<16xf32>, vector<16xf32>)  : i32 {
      %get3A_281 = arith.index_cast %scan3A_272 : i32 to index
      %get3A_282 = arith.constant 0 : index
      %get3A_283 = tpu.vector_load %arg24[%get3A_281, %get3A_282] {strides = array<i32>} : memref<80x16xf32, #tpu.memory_space<vmem>>, vector<1x16xf32>,
      %get3A_284 = vector.shape_cast %get3A_283 : vector<1x16xf32> to vector<16xf32>
      %get3A_285 = arith.index_cast %scan3A_272 : i32 to index
      %get3A_286 = arith.constant 0 : index
      %get3A_287 = tpu.vector_load %arg22[%get3A_285, %get3A_286] {strides = array<i32>} : memref<128x128xf32, #tpu.memory_space<vmem>>, vector<1x16xf32>,
      %get3A_288 = vector.shape_cast %get3A_287 : vector<1x16xf32> to vector<16xf32>
      %mul3A_289 = arith.mulf %get3A_288, %get3A_284 : vector<16xf32>
      %add3A_290 = arith.addf %scan3A_273, %mul3A_289 : vector<16xf32>
      %get3A_291 = arith.index_cast %scan3A_272 : i32 to index
      %get3A_292 = arith.constant 16 : index
      %get3A_293 = tpu.vector_load %arg22[%get3A_291, %get3A_292] {strides = array<i32>} : memref<128x128xf32, #tpu.memory_space<vmem>>, vector<1x16xf32>,
      %get3A_294 = vector.shape_cast %get3A_293 : vector<1x16xf32> to vector<16xf32>
      %mul3A_295 = arith.mulf %get3A_294, %get3A_284 : vector<16xf32>
      %add3A_296 = arith.addf %scan3A_274, %mul3A_295 : vector<16xf32>
      %get3A_297 = arith.index_cast %scan3A_272 : i32 to index
      %get3A_298 = arith.constant 32 : index
      %get3A_299 = tpu.vector_load %arg22[%get3A_297, %get3A_298] {strides = array<i32>} : memref<128x128xf32, #tpu.memory_space<vmem>>, vector<1x16xf32>,
      %get3A_300 = vector.shape_cast %get3A_299 : vector<1x16xf32> to vector<16xf32>
      %mul3A_301 = arith.mulf %get3A_300, %get3A_284 : vector<16xf32>
      %add3A_302 = arith.addf %scan3A_275, %mul3A_301 : vector<16xf32>
      %get3A_303 = arith.index_cast %scan3A_272 : i32 to index
      %get3A_304 = arith.constant 48 : index
      %get3A_305 = tpu.vector_load %arg22[%get3A_303, %get3A_304] {strides = array<i32>} : memref<128x128xf32, #tpu.memory_space<vmem>>, vector<1x16xf32>,
      %get3A_306 = vector.shape_cast %get3A_305 : vector<1x16xf32> to vector<16xf32>
      %mul3A_307 = arith.mulf %get3A_306, %get3A_284 : vector<16xf32>
      %add3A_308 = arith.addf %scan3A_276, %mul3A_307 : vector<16xf32>
      %get3A_309 = arith.index_cast %scan3A_272 : i32 to index
      %get3A_310 = arith.constant 64 : index
      %get3A_311 = tpu.vector_load %arg22[%get3A_309, %get3A_310] {strides = array<i32>} : memref<128x128xf32, #tpu.memory_space<vmem>>, vector<1x16xf32>,
      %get3A_312 = vector.shape_cast %get3A_311 : vector<1x16xf32> to vector<16xf32>
      %mul3A_313 = arith.mulf %get3A_312, %get3A_284 : vector<16xf32>
      %add3A_314 = arith.addf %scan3A_277, %mul3A_313 : vector<16xf32>
      %get3A_315 = arith.index_cast %scan3A_272 : i32 to index
      %get3A_316 = arith.constant 80 : index
      %get3A_317 = tpu.vector_load %arg22[%get3A_315, %get3A_316] {strides = array<i32>} : memref<128x128xf32, #tpu.memory_space<vmem>>, vector<1x16xf32>,
      %get3A_318 = vector.shape_cast %get3A_317 : vector<1x16xf32> to vector<16xf32>
      %mul3A_319 = arith.mulf %get3A_318, %get3A_284 : vector<16xf32>
      %add3A_320 = arith.addf %scan3A_278, %mul3A_319 : vector<16xf32>
      %get3A_321 = arith.index_cast %scan3A_272 : i32 to index
      %get3A_322 = arith.constant 96 : index
      %get3A_323 = tpu.vector_load %arg22[%get3A_321, %get3A_322] {strides = array<i32>} : memref<128x128xf32, #tpu.memory_space<vmem>>, vector<1x16xf32>,
      %get3A_324 = vector.shape_cast %get3A_323 : vector<1x16xf32> to vector<16xf32>
      %mul3A_325 = arith.mulf %get3A_324, %get3A_284 : vector<16xf32>
      %add3A_326 = arith.addf %scan3A_279, %mul3A_325 : vector<16xf32>
      %get3A_327 = arith.index_cast %scan3A_272 : i32 to index
      %get3A_328 = arith.constant 112 : index
      %get3A_329 = tpu.vector_load %arg22[%get3A_327, %get3A_328] {strides = array<i32>} : memref<128x128xf32, #tpu.memory_space<vmem>>, vector<1x16xf32>,
      %get3A_330 = vector.shape_cast %get3A_329 : vector<1x16xf32> to vector<16xf32>
      %mul3A_331 = arith.mulf %get3A_330, %get3A_284 : vector<16xf32>
      %add3A_332 = arith.addf %scan3A_280, %mul3A_331 : vector<16xf32>
      scf.yield %add3A_290, %add3A_296, %add3A_302, %add3A_308, %add3A_314, %add3A_320, %add3A_326, %add3A_332 : vector<16xf32>, vector<16xf32>, vector<16xf32>, vector<16xf32>, vector<16xf32>, vector<16xf32>, vector<16xf32>, vector<16xf32>
    }
    %scan3A_178 = arith.constant 72 : i32
    %scan3A_179 = arith.constant 0 : i32
    %scan3A_180 = arith.constant 0 : i32
    %scan3A_181 = arith.constant 113 : i32
    %scan3A_182 = arith.addi %scan3A_180, %scan3A_181 : i32
    %scan3A_183 = arith.constant 1 : i32
    scf.for %scan3A_272 = %scan3A_180 to %scan3A_182 step %scan3A_183  : i32 {
      %dma_wait3A_273 = arith.constant 0 : i32
      %dma_wait3A_274 = arith.constant 0 : i32
      %dma_wait3A_275 = arith.constant 0 : i32
      %dma_wait3A_276 = tpu.memref_slice %arg23[%dma_wait3A_274, %dma_wait3A_275] : memref<113x128xf32, #tpu.memory_space<vmem>> -> memref<1x128xf32, #tpu.memory_space<vmem>>
      %dma_wait3A_277 = tpu.memref_squeeze %dma_wait3A_276 : memref<1x128xf32, #tpu.memory_space<vmem>> -> memref<128xf32, #tpu.memory_space<vmem>>
      %dma_wait3A_278 = arith.constant 0 : i32
      %dma_wait3A_279 = tpu.memref_slice %arg21[%dma_wait3A_273, %dma_wait3A_278] : memref<128x128xi32, #tpu.memory_space<vmem>> -> memref<1x128xi32, #tpu.memory_space<vmem>>
      %dma_wait3A_280 = tpu.memref_squeeze %dma_wait3A_279 : memref<1x128xi32, #tpu.memory_space<vmem>> -> memref<128xi32, #tpu.memory_space<vmem>>
      %dma_wait3A_281 = arith.constant 0 : i32
      %dma_wait3A_282 = tpu.memref_slice %arg2[%dma_wait3A_281] : memref<100000xf32, #tpu.memory_space<hbm>> -> memref<100000xf32, #tpu.memory_space<hbm>>
      tpu.wait_indirect_dma semaphore(%arg28 : memref<!tpu.dma_semaphore, #tpu.memory_space<semaphore_mem>>) src(%dma_wait3A_282 : memref<100000xf32, #tpu.memory_space<hbm>>) dst(%dma_wait3A_277 : memref<128xf32, #tpu.memory_space<vmem>>)
    }
    %scan3A_184 = arith.constant 113 : i32
    %scan3A_185 = arith.constant 0 : i32
    %scan3A_186 = arith.constant 113 : i32
    %scan3A_187 = arith.addi %scan3A_185, %scan3A_186 : i32
    %scan3A_188 = arith.constant 1 : i32
    %scan3A_189:8 = scf.for %scan3A_272 = %scan3A_185 to %scan3A_187 step %scan3A_188 iter_args(%scan3A_273 = %broadcast_in_dim3A_158, %scan3A_274 = %broadcast_in_dim3A_160, %scan3A_275 = %broadcast_in_dim3A_162, %scan3A_276 = %broadcast_in_dim3A_164, %scan3A_277 = %broadcast_in_dim3A_166, %scan3A_278 = %broadcast_in_dim3A_168, %scan3A_279 = %broadcast_in_dim3A_170, %scan3A_280 = %broadcast_in_dim3A_172) -> (vector<16xf32>, vector<16xf32>, vector<16xf32>, vector<16xf32>, vector<16xf32>, vector<16xf32>, vector<16xf32>, vector<16xf32>)  : i32 {
      %get3A_281 = arith.index_cast %scan3A_272 : i32 to index
      %get3A_282 = arith.constant 0 : index
      %get3A_283 = tpu.vector_load %arg23[%get3A_281, %get3A_282] {strides = array<i32>} : memref<113x128xf32, #tpu.memory_space<vmem>>, vector<1x16xf32>,
      %get3A_284 = vector.shape_cast %get3A_283 : vector<1x16xf32> to vector<16xf32>
      %add3A_285 = arith.addf %scan3A_273, %get3A_284 : vector<16xf32>
      %get3A_286 = arith.index_cast %scan3A_272 : i32 to index
      %get3A_287 = arith.constant 16 : index
      %get3A_288 = tpu.vector_load %arg23[%get3A_286, %get3A_287] {strides = array<i32>} : memref<113x128xf32, #tpu.memory_space<vmem>>, vector<1x16xf32>,
      %get3A_289 = vector.shape_cast %get3A_288 : vector<1x16xf32> to vector<16xf32>
      %add3A_290 = arith.addf %scan3A_274, %get3A_289 : vector<16xf32>
      %get3A_291 = arith.index_cast %scan3A_272 : i32 to index
      %get3A_292 = arith.constant 32 : index
      %get3A_293 = tpu.vector_load %arg23[%get3A_291, %get3A_292] {strides = array<i32>} : memref<113x128xf32, #tpu.memory_space<vmem>>, vector<1x16xf32>,
      %get3A_294 = vector.shape_cast %get3A_293 : vector<1x16xf32> to vector<16xf32>
      %add3A_295 = arith.addf %scan3A_275, %get3A_294 : vector<16xf32>
      %get3A_296 = arith.index_cast %scan3A_272 : i32 to index
      %get3A_297 = arith.constant 48 : index
      %get3A_298 = tpu.vector_load %arg23[%get3A_296, %get3A_297] {strides = array<i32>} : memref<113x128xf32, #tpu.memory_space<vmem>>, vector<1x16xf32>,
      %get3A_299 = vector.shape_cast %get3A_298 : vector<1x16xf32> to vector<16xf32>
      %add3A_300 = arith.addf %scan3A_276, %get3A_299 : vector<16xf32>
      %get3A_301 = arith.index_cast %scan3A_272 : i32 to index
      %get3A_302 = arith.constant 64 : index
      %get3A_303 = tpu.vector_load %arg23[%get3A_301, %get3A_302] {strides = array<i32>} : memref<113x128xf32, #tpu.memory_space<vmem>>, vector<1x16xf32>,
      %get3A_304 = vector.shape_cast %get3A_303 : vector<1x16xf32> to vector<16xf32>
      %add3A_305 = arith.addf %scan3A_277, %get3A_304 : vector<16xf32>
      %get3A_306 = arith.index_cast %scan3A_272 : i32 to index
      %get3A_307 = arith.constant 80 : index
      %get3A_308 = tpu.vector_load %arg23[%get3A_306, %get3A_307] {strides = array<i32>} : memref<113x128xf32, #tpu.memory_space<vmem>>, vector<1x16xf32>,
      %get3A_309 = vector.shape_cast %get3A_308 : vector<1x16xf32> to vector<16xf32>
      %add3A_310 = arith.addf %scan3A_278, %get3A_309 : vector<16xf32>
      %get3A_311 = arith.index_cast %scan3A_272 : i32 to index
      %get3A_312 = arith.constant 96 : index
      %get3A_313 = tpu.vector_load %arg23[%get3A_311, %get3A_312] {strides = array<i32>} : memref<113x128xf32, #tpu.memory_space<vmem>>, vector<1x16xf32>,
      %get3A_314 = vector.shape_cast %get3A_313 : vector<1x16xf32> to vector<16xf32>
      %add3A_315 = arith.addf %scan3A_279, %get3A_314 : vector<16xf32>
      %get3A_316 = arith.index_cast %scan3A_272 : i32 to index
      %get3A_317 = arith.constant 112 : index
      %get3A_318 = tpu.vector_load %arg23[%get3A_316, %get3A_317] {strides = array<i32>} : memref<113x128xf32, #tpu.memory_space<vmem>>, vector<1x16xf32>,
      %get3A_319 = vector.shape_cast %get3A_318 : vector<1x16xf32> to vector<16xf32>
      %add3A_320 = arith.addf %scan3A_280, %get3A_319 : vector<16xf32>
      scf.yield %add3A_285, %add3A_290, %add3A_295, %add3A_300, %add3A_305, %add3A_310, %add3A_315, %add3A_320 : vector<16xf32>, vector<16xf32>, vector<16xf32>, vector<16xf32>, vector<16xf32>, vector<16xf32>, vector<16xf32>, vector<16xf32>
    }
    %scan3A_190 = arith.constant 113 : i32
    %get3A = arith.constant 72 : i32
    %get3A_191 = arith.index_cast %get3A : i32 to index
    %get3A_192 = arith.constant 0 : index
    %get3A_193 = tpu.vector_load %arg24[%get3A_191, %get3A_192] {strides = array<i32>} : memref<80x16xf32, #tpu.memory_space<vmem>>, vector<1x16xf32>,
    %get3A_194 = vector.shape_cast %get3A_193 : vector<1x16xf32> to vector<16xf32>
    %get3A_195 = arith.constant 73 : i32
    %get3A_196 = arith.index_cast %get3A_195 : i32 to index
    %get3A_197 = arith.constant 0 : index
    %get3A_198 = tpu.vector_load %arg24[%get3A_196, %get3A_197] {strides = array<i32>} : memref<80x16xf32, #tpu.memory_space<vmem>>, vector<1x16xf32>,
    %get3A_199 = vector.shape_cast %get3A_198 : vector<1x16xf32> to vector<16xf32>
    %add3A_200 = arith.addf %get3A_194, %get3A_199 : vector<16xf32>
    %mul3A_201 = arith.constant 0.999500393 : f32
    %mul3A_202 = vector.broadcast %mul3A_201 : f32 to vector<16xf32>
    %mul3A_203 = arith.mulf %mul3A_202, %scan3A_177#0 : vector<16xf32>
    %add3A_204 = arith.addf %scan3A_189#0, %mul3A_203 : vector<16xf32>
    %add3A_205 = arith.addf %add3A_204, %add3A_200 : vector<16xf32>
    %swap3A = arith.constant 0 : index
    %swap3A_206 = tpu.vector_load %arg25[%swap3A] {strides = array<i32>} : memref<128xf32, #tpu.memory_space<vmem>>, vector<16xf32>,
    %swap3A_207 = vector.shape_cast %swap3A_206 : vector<16xf32> to vector<16xf32>
    %swap3A_208 = vector.shape_cast %add3A_205 : vector<16xf32> to vector<16xf32>
    tpu.vector_store %arg25[%swap3A], %swap3A_208 {strides = array<i32>} : memref<128xf32, #tpu.memory_space<vmem>>, vector<16xf32>,
    %mul3A_209 = arith.constant 0.999500393 : f32
    %mul3A_210 = vector.broadcast %mul3A_209 : f32 to vector<16xf32>
    %mul3A_211 = arith.mulf %mul3A_210, %scan3A_177#1 : vector<16xf32>
    %add3A_212 = arith.addf %scan3A_189#1, %mul3A_211 : vector<16xf32>
    %add3A_213 = arith.addf %add3A_212, %add3A_200 : vector<16xf32>
    %swap3A_214 = arith.constant 16 : index
    %swap3A_215 = tpu.vector_load %arg25[%swap3A_214] {strides = array<i32>} : memref<128xf32, #tpu.memory_space<vmem>>, vector<16xf32>,
    %swap3A_216 = vector.shape_cast %swap3A_215 : vector<16xf32> to vector<16xf32>
    %swap3A_217 = vector.shape_cast %add3A_213 : vector<16xf32> to vector<16xf32>
    tpu.vector_store %arg25[%swap3A_214], %swap3A_217 {strides = array<i32>} : memref<128xf32, #tpu.memory_space<vmem>>, vector<16xf32>,
    %mul3A_218 = arith.constant 0.999500393 : f32
    %mul3A_219 = vector.broadcast %mul3A_218 : f32 to vector<16xf32>
    %mul3A_220 = arith.mulf %mul3A_219, %scan3A_177#2 : vector<16xf32>
    %add3A_221 = arith.addf %scan3A_189#2, %mul3A_220 : vector<16xf32>
    %add3A_222 = arith.addf %add3A_221, %add3A_200 : vector<16xf32>
    %swap3A_223 = arith.constant 32 : index
    %swap3A_224 = tpu.vector_load %arg25[%swap3A_223] {strides = array<i32>} : memref<128xf32, #tpu.memory_space<vmem>>, vector<16xf32>,
    %swap3A_225 = vector.shape_cast %swap3A_224 : vector<16xf32> to vector<16xf32>
    %swap3A_226 = vector.shape_cast %add3A_222 : vector<16xf32> to vector<16xf32>
    tpu.vector_store %arg25[%swap3A_223], %swap3A_226 {strides = array<i32>} : memref<128xf32, #tpu.memory_space<vmem>>, vector<16xf32>,
    %mul3A_227 = arith.constant 0.999500393 : f32
    %mul3A_228 = vector.broadcast %mul3A_227 : f32 to vector<16xf32>
    %mul3A_229 = arith.mulf %mul3A_228, %scan3A_177#3 : vector<16xf32>
    %add3A_230 = arith.addf %scan3A_189#3, %mul3A_229 : vector<16xf32>
    %add3A_231 = arith.addf %add3A_230, %add3A_200 : vector<16xf32>
    %swap3A_232 = arith.constant 48 : index
    %swap3A_233 = tpu.vector_load %arg25[%swap3A_232] {strides = array<i32>} : memref<128xf32, #tpu.memory_space<vmem>>, vector<16xf32>,
    %swap3A_234 = vector.shape_cast %swap3A_233 : vector<16xf32> to vector<16xf32>
    %swap3A_235 = vector.shape_cast %add3A_231 : vector<16xf32> to vector<16xf32>
    tpu.vector_store %arg25[%swap3A_232], %swap3A_235 {strides = array<i32>} : memref<128xf32, #tpu.memory_space<vmem>>, vector<16xf32>,
    %mul3A_236 = arith.constant 0.999500393 : f32
    %mul3A_237 = vector.broadcast %mul3A_236 : f32 to vector<16xf32>
    %mul3A_238 = arith.mulf %mul3A_237, %scan3A_177#4 : vector<16xf32>
    %add3A_239 = arith.addf %scan3A_189#4, %mul3A_238 : vector<16xf32>
    %add3A_240 = arith.addf %add3A_239, %add3A_200 : vector<16xf32>
    %swap3A_241 = arith.constant 64 : index
    %swap3A_242 = tpu.vector_load %arg25[%swap3A_241] {strides = array<i32>} : memref<128xf32, #tpu.memory_space<vmem>>, vector<16xf32>,
    %swap3A_243 = vector.shape_cast %swap3A_242 : vector<16xf32> to vector<16xf32>
    %swap3A_244 = vector.shape_cast %add3A_240 : vector<16xf32> to vector<16xf32>
    tpu.vector_store %arg25[%swap3A_241], %swap3A_244 {strides = array<i32>} : memref<128xf32, #tpu.memory_space<vmem>>, vector<16xf32>,
    %mul3A_245 = arith.constant 0.999500393 : f32
    %mul3A_246 = vector.broadcast %mul3A_245 : f32 to vector<16xf32>
    %mul3A_247 = arith.mulf %mul3A_246, %scan3A_177#5 : vector<16xf32>
    %add3A_248 = arith.addf %scan3A_189#5, %mul3A_247 : vector<16xf32>
    %add3A_249 = arith.addf %add3A_248, %add3A_200 : vector<16xf32>
    %swap3A_250 = arith.constant 80 : index
    %swap3A_251 = tpu.vector_load %arg25[%swap3A_250] {strides = array<i32>} : memref<128xf32, #tpu.memory_space<vmem>>, vector<16xf32>,
    %swap3A_252 = vector.shape_cast %swap3A_251 : vector<16xf32> to vector<16xf32>
    %swap3A_253 = vector.shape_cast %add3A_249 : vector<16xf32> to vector<16xf32>
    tpu.vector_store %arg25[%swap3A_250], %swap3A_253 {strides = array<i32>} : memref<128xf32, #tpu.memory_space<vmem>>, vector<16xf32>,
    %mul3A_254 = arith.constant 0.999500393 : f32
    %mul3A_255 = vector.broadcast %mul3A_254 : f32 to vector<16xf32>
    %mul3A_256 = arith.mulf %mul3A_255, %scan3A_177#6 : vector<16xf32>
    %add3A_257 = arith.addf %scan3A_189#6, %mul3A_256 : vector<16xf32>
    %add3A_258 = arith.addf %add3A_257, %add3A_200 : vector<16xf32>
    %swap3A_259 = arith.constant 96 : index
    %swap3A_260 = tpu.vector_load %arg25[%swap3A_259] {strides = array<i32>} : memref<128xf32, #tpu.memory_space<vmem>>, vector<16xf32>,
    %swap3A_261 = vector.shape_cast %swap3A_260 : vector<16xf32> to vector<16xf32>
    %swap3A_262 = vector.shape_cast %add3A_258 : vector<16xf32> to vector<16xf32>
    tpu.vector_store %arg25[%swap3A_259], %swap3A_262 {strides = array<i32>} : memref<128xf32, #tpu.memory_space<vmem>>, vector<16xf32>,
    %mul3A_263 = arith.constant 0.999500393 : f32
    %mul3A_264 = vector.broadcast %mul3A_263 : f32 to vector<16xf32>
    %mul3A_265 = arith.mulf %mul3A_264, %scan3A_177#7 : vector<16xf32>
    %add3A_266 = arith.addf %scan3A_189#7, %mul3A_265 : vector<16xf32>
    %add3A_267 = arith.addf %add3A_266, %add3A_200 : vector<16xf32>
    %swap3A_268 = arith.constant 112 : index
    %swap3A_269 = tpu.vector_load %arg25[%swap3A_268] {strides = array<i32>} : memref<128xf32, #tpu.memory_space<vmem>>, vector<16xf32>,
    %swap3A_270 = vector.shape_cast %swap3A_269 : vector<16xf32> to vector<16xf32>
    %swap3A_271 = vector.shape_cast %add3A_267 : vector<16xf32> to vector<16xf32>
    tpu.vector_store %arg25[%swap3A_268], %swap3A_271 {strides = array<i32>} : memref<128xf32, #tpu.memory_space<vmem>>, vector<16xf32>,
    "tpu.region"() ({
      %run_scoped3A = tpu.sem_alloc : memref<!tpu.dma_semaphore, #tpu.memory_space<semaphore_mem>>
      %dma_start3A_272 = tpu.memref_slice %arg20[%mul3A_2] : memref<4096xf32, #tpu.memory_space<hbm>> -> memref<128xf32, #tpu.memory_space<hbm>>
      %dma_start3A_273 = tpu.memref_slice %arg20[%mul3A_2] : memref<4096xf32, #tpu.memory_space<hbm>> -> memref<128xf32, #tpu.memory_space<hbm>>
      tpu.enqueue_dma source(%arg25 : memref<128xf32, #tpu.memory_space<vmem>>) target(%dma_start3A_273 : memref<128xf32, #tpu.memory_space<hbm>>) target_semaphore(%run_scoped3A : memref<!tpu.dma_semaphore, #tpu.memory_space<semaphore_mem>>)
      %dma_wait3A_274 = tpu.memref_slice %arg20[%mul3A_2] : memref<4096xf32, #tpu.memory_space<hbm>> -> memref<128xf32, #tpu.memory_space<hbm>>
      %dma_wait3A_275 = tpu.memref_slice %arg20[%mul3A_2] : memref<4096xf32, #tpu.memory_space<hbm>> -> memref<128xf32, #tpu.memory_space<hbm>>
      tpu.wait_dma2 semaphore(%run_scoped3A : memref<!tpu.dma_semaphore, #tpu.memory_space<semaphore_mem>>) src(%arg25 : memref<128xf32, #tpu.memory_space<vmem>>) dst(%dma_wait3A_275 : memref<128xf32, #tpu.memory_space<hbm>>)
      tpu.yield
    }) : () -> ()
    return
  }
}

</mosaic_0001>

<sc_bundles>
// kernel: _run.3.cloned.1.call-start
scs
__scs_entry_jumppad:
0x0: {  	(pc) =	sbr.rel $0x88, $3  }
0x1: {  	(tag) =	ssettag $0x0;
	lr =	simm.s32 $0x1  }
0x2: {  	[smem:$0x3F8F] =	sst lr;
	_ =	strace $0xD0000000  }
0x3: {  	_ = 	snop  }
0x4: {  	_ = 	snop  }
0x5: {  	_ = 	snop  }
0x6: {  	_ = 	snop  }
0x7: {  	_ = 	snop  }
__scs_overlays_trampoline_lowered:
0x8: {  	[smem:$0x3F9E] =	sst s0  }
0x9: {  	[smem:$0x3F9F] =	sst s1  }
0xa: {  	[smem:$0x3FA0] =	sst s2  }
0xb: {  	[smem:$0x3FA1] =	sst s3  }
0xc: {  	[smem:$0x3FA2] =	sst s4  }
0xd: {  	[smem:$0x3FA3] =	sst s5  }
0xe: {  	[smem:$0x3FA4] =	sst s6  }
0xf: {  	[smem:$0x3FA5] =	sst s7  }
0x10: {  	[smem:$0x3FA6] =	sst s8  }
0x11: {  	[smem:$0x3FA7] =	sst s9;
	s0 =	simm.s32 @!p0 $0x0  }
0x12: {  	s1 =	sld [smem:$0x3F8D];
	s0 =	simm.s32 @p0 $0x1  }
0x13: {  	[smem:$0x3FA8] =	sst s0;
	s0 =	simm.s32 @!p1 $0x0  }
0x14: {  	s2 =	sld [smem:$0x3F8C];
	s0 =	simm.s32 @p1 $0x1  }
0x15: {  	[smem:$0x3FA9] =	sst s0;
	s0 =	simm.s32 @!p2 $0x0  }
0x16: {  	s3 =	sld [smem:$0x3FDB];
	s0 =	simm.s32 @p2 $0x1  }
0x17: {  	s4 =	simm.s32 $0x1BF5;
	[smem:$0x3FAB] =	sst s0  }
0x18: {  	s0 =	sld [smem:$0x3F8E];
	_ =	swait.ge [sflag:s4], $0x0  }
0x19: {  	s7 =	sld [smem:$0x3F8F]  }
0x1a: {  	s8 =	sadd.s32 $0xFFFFE003, lr  }
0x1b: {  	s9 =	sadd.s32 $0xFFFFFEF7, lr;
	s5 =	simm.s32 $0xFFFFFFFF;
	p2 =	slt.u32 s8, $0xFFFFF086  }
0x1c: {  	p1 =	slt.u32 s9, $0xF7A;
	s5 =	simm.s32 @!p2 $0x0  }
0x1d: {  	s5 =	simm.s32 @p1 $0x1;
	p0 =	seq.s32 s7, s2  }
0x1e: {  	s7 =	smul.u32 @!p0 $0xF7A, s2;
	p2 =	seq.s32 @!p0 s5, $0x0  }
0x1f: {  	s9 =	smul.u32 $0xF7A, s1;
	s8 =	simm.s32 @!p0 $0x1BF5;
	p2 =	por !p2, p0  }
0x20: {  	[sflag:s8] =	ssyncset.s32 @!p0 $0xFFFFF086;
	s6 =	sadd.s32 @!p0 s3, s7;
	s7 =	simm.s32 @!p0 $0x108  }
0x21: {  	s3 =	sadd.s32 s3, s9;
	s6 =	sadd.s32 @!p0 $0x88, s6;
	s7 =	simm.s32 @p2 $0x1082  }
0x22: {  	[simem:s7], [sflag:s8] =	dma.local @!p0 [hbm:s6], $0xF7A  }
0x23: {  	s9 =	sor.u32 $0xD0000000, s2;
	s6 =	simm.s32 $0x108;
	_ =	swait.ge @!p0 [sflag:s8], $0x0  }
0x24: {  	s3 =	sadd.s32 $0x88, s3;
	s6 =	simm.s32 @!p1 $0x1082;
	[sflag:s4] =	ssyncset.s32 $0xFFFFF086  }
0x25: {  	[simem:s6], [sflag:s4] =	dma.local [hbm:s3], $0xF7A  }
0x26: {  	[smem:$0x3F8F] =	sst s1;
	(tag) =	ssettag s2;
	_ =	strace s9  }
0x27: {  	s1 =	sld [smem:$0x3F9F]  }
0x28: {  	s2 =	sld [smem:$0x3FA0]  }
0x29: {  	s4 =	sld [smem:$0x3FA2]  }
0x2a: {  	p0 =	seq.s32 s5, $0x0;
	s5 =	sld [smem:$0x3FA3]  }
0x2b: {  	s6 =	sld [smem:$0x3FA4]  }
0x2c: {  	s7 =	sld [smem:$0x3FA5]  }
0x2d: {  	s3 =	simm.s32 $0x108;
	s8 =	sld [smem:$0x3FA6]  }
0x2e: {  	s3 =	simm.s32 @!p0 $0x1082;
	s9 =	sld [smem:$0x3FA7]  }
0x2f: {  	lr =	sadd.s32 s0, s3;
	s0 =	sld [smem:$0x3F9E]  }
0x30: {  	s3 =	sld [smem:$0x3FA1]  }
0x31: {  	[smem:$0x3FAA] =	sst s10  }
0x32: {  	s10 =	sld [smem:$0x3FA8];
	_ =	sdelay $0x3  }
0x33: {  	p0 =	seq.s32 s10, $0x1;
	s10 =	sld [smem:$0x3FAA];
	_ =	sdelay $0x3  }
0x34: {  	[smem:$0x3FAA] =	sst s10  }
0x35: {  	s10 =	sld [smem:$0x3FA9];
	_ =	sdelay $0x3  }
0x36: {  	p1 =	seq.s32 s10, $0x1;
	s10 =	sld [smem:$0x3FAA];
	_ =	sdelay $0x3  }
0x37: {  	[smem:$0x3FAA] =	sst s10  }
0x38: {  	s10 =	sld [smem:$0x3FAB]  }
0x39: {  	_ = 	snop;
	(pc) =	sbr.ind lr, $3  }
0x3a: {  	_ = 	snop  }
0x3b: {  	_ = 	snop  }
0x3c: {  	p2 =	seq.s32 s10, $0x1;
	s10 =	sld [smem:$0x3FAA]  }
0x3d: {  	_ =	shalt  }
0x3e: {  	_ =	shalt  }
0x3f: {  	_ =	shalt  }
0x40: {  	_ =	shalt  }
0x41: {  	_ =	shalt  }
0x42: {  	_ =	shalt  }
0x43: {  	_ =	shalt  }
0x44: {  	_ =	shalt  }
0x45: {  	_ =	shalt  }
0x46: {  	_ =	shalt  }
0x47: {  	_ =	shalt  }
0x48: {  	_ =	shalt  }
0x49: {  	_ =	shalt  }
0x4a: {  	_ =	shalt  }
0x4b: {  	_ =	shalt  }
0x4c: {  	_ =	shalt  }
0x4d: {  	_ =	shalt  }
0x4e: {  	_ =	shalt  }
0x4f: {  	_ =	shalt  }
0x50: {  	_ =	shalt  }
0x51: {  	_ =	shalt  }
0x52: {  	_ =	shalt  }
0x53: {  	_ =	shalt  }
0x54: {  	_ =	shalt  }
0x55: {  	_ =	shalt  }
0x56: {  	_ =	shalt  }
0x57: {  	_ =	shalt  }
0x58: {  	_ =	shalt  }
0x59: {  	_ =	shalt  }
0x5a: {  	_ =	shalt  }
0x5b: {  	_ =	shalt  }
0x5c: {  	_ =	shalt  }
0x5d: {  	_ =	shalt  }
0x5e: {  	_ =	shalt  }
0x5f: {  	_ =	shalt  }
0x60: {  	_ =	shalt  }
0x61: {  	_ =	shalt  }
0x62: {  	_ =	shalt  }
0x63: {  	_ =	shalt  }
0x64: {  	_ =	shalt  }
0x65: {  	_ =	shalt  }
0x66: {  	_ =	shalt  }
0x67: {  	_ =	shalt  }
0x68: {  	_ =	shalt  }
0x69: {  	_ =	shalt  }
0x6a: {  	_ =	shalt  }
0x6b: {  	_ =	shalt  }
0x6c: {  	_ =	shalt  }
0x6d: {  	_ =	shalt  }
0x6e: {  	_ =	shalt  }
0x6f: {  	_ =	shalt  }
0x70: {  	_ =	shalt  }
0x71: {  	_ =	shalt  }
0x72: {  	_ =	shalt  }
0x73: {  	_ =	shalt  }
0x74: {  	_ =	shalt  }
0x75: {  	_ =	shalt  }
0x76: {  	_ =	shalt  }
0x77: {  	_ =	shalt  }
0x78: {  	_ =	shalt  }
0x79: {  	_ =	shalt  }
0x7a: {  	_ =	shalt  }
0x7b: {  	_ =	shalt  }
0x7c: {  	_ =	shalt  }
0x7d: {  	_ =	shalt  }
0x7e: {  	_ =	shalt  }
0x7f: {  	_ =	shalt  }
0x80: {  	_ =	shalt  }
0x81: {  	_ =	shalt  }
0x82: {  	_ =	shalt  }
0x83: {  	_ =	shalt  }
0x84: {  	_ =	shalt  }
0x85: {  	_ =	shalt  }
0x86: {  	_ =	shalt  }
0x87: {  	_ =	shalt  }
.Lfunc_end0:
.L_simem_size_0:
called_computation_lowered:
.L_overlay_start_0:
0x88: {  	s2 =	sld [smem:$0x3FD9]  }
0x89: {  	s3 =	sld [smem:$0x3FFE];
	_ =	sdelay $0x1  }
0x8a: {  	s1 =	srdreg.scid  }
0x8b: {  	s0 =	sand.u32 $0x1, s1  }
0x8c: {  	s29 =	sshll.u32 s0, $0xA;
	s2 =	sadd.s32 s3, s2  }
0x8d: {  	s2 =	sadd.s32 s2, s29  }
0x8e: {  	[smem:$0x3FB6] =	sst s2  }
0x8f: {  	_ = 	snop  }
0x90: {  	s2 =	sld [smem:$0x3FC9]  }
0x91: {  	s3 =	sld [smem:$0x3FC8]  }
0x92: {  	s4 =	sld [smem:$0x3FC7]  }
0x93: {  	s5 =	sld [smem:$0x3FC6]  }
0x94: {  	s6 =	sld [smem:$0x3FC5]  }
0x95: {  	s7 =	sld [smem:$0x3FC4]  }
0x96: {  	s8 =	sld [smem:$0x3FC3]  }
0x97: {  	s9 =	sld [smem:$0x3FC2]  }
0x98: {  	s10 =	sld [smem:$0x3FC1]  }
0x99: {  	s11 =	sld [smem:$0x3FC0]  }
0x9a: {  	s12 =	sld [smem:$0x3FBF]  }
0x9b: {  	s13 =	sld [smem:$0x3FBE]  }
0x9c: {  	s14 =	sld [smem:$0x3FBD]  }
0x9d: {  	s15 =	sld [smem:$0x3FBC]  }
0x9e: {  	s17 =	sld [smem:$0x3FBB]  }
0x9f: {  	s18 =	sld [smem:$0x3FBA]  }
0xa0: {  	s19 =	sld [smem:$0x3FB9]  }
0xa1: {  	s20 =	sld [smem:$0x3FD0];
	(tm) =	ssettm $0x1  }
0xa2: {  	s16 =	sld [smem:$0x3FFB];
	_ =	sdelay $0x3  }
0xa3: {  	_ =	strace s16  }
0xa4: {  	s16 =	sld [smem:$0x3FFC];
	_ =	sdelay $0x3  }
0xa5: {  	_ =	strace s16  }
0xa6: {  	s16 =	sld [smem:$0x3FFD];
	_ =	sdelay $0x3  }
0xa7: {  	_ =	strace s16  }
0xa8: {  	_ =	strace $0x8FFFFFFF  }
0xa9: {  	s30 =	sld [smem:$0x3FDB];
	_ =	sdelay $0x1  }
0xaa: {  	s21 =	simm.s32 $_scs_section_size  }
0xab: {  	s22 =	simm.s32 $_size__tile_task_arg_handler_lowered;
	s23 =	simm.s32 $_tile_task_arg_handler_lowered  }
0xac: {  	s26 =	simm.s32 $0x1BFF;
	s25 =	sshll.u32 s23, $0x1;
	s21 =	sadd.s32 s21, s30  }
0xad: {  	s24 =	simm.s32 $0x60;
	s31 =	sshll.u32 s22, $0x1;
	s22 =	sadd.s32 s25, s21  }
0xae: {  	[timem:s24], [sflag:s26] =	dma.local [hbm:s22], s31  }
0xaf: {  	_ =	swait.ge [sflag:s26], s31  }
0xb0: {  	s28 =	simm.s32 $_tile_overlayer_lowered;
	s16 =	ssub.s32 $0x0, s31;
	[sflag:s26] =	ssyncset.done $0x0  }
0xb1: {  	s29 =	simm.s32 $_size__tile_overlayer_lowered;
	s22 =	sshll.u32 s28, $0x1;
	[sflag:s26] =	ssyncadd.s32 s16  }
0xb2: {  	s30 =	sshll.u32 s29, $0x1;
	s22 =	sadd.s32 s22, s21;
	s16 =	simm.s32 $0x0  }
0xb3: {  	[timem:s16], [sflag:s26] =	dma.local [hbm:s22], s30  }
0xb4: {  	_ =	swait.ge [sflag:s26], s30  }
0xb5: {  	s31 =	ssub.s32 $0x0, s30;
	[sflag:s26] =	ssyncset.done $0x0  }
0xb6: {  	[sflag:s26] =	ssyncadd.s32 s31;
	_ =	sdelay $0x1  }
0xb7: {  	s23 =	simm.s32 $0x1B8B  }
0xb8: {  	_ =	swait.ge [sflag:s23], $0x1  }
0xb9: {  	[sflag:s23] =	ssyncset.done $0x0  }
0xba: {  	s25 =	simm.s32 $0x1B8E;
	s24 =	sld [smem:$0x3FFE];
	[sflag:s23] =	ssyncadd.s32 $0xFFFFFFFF  }
0xbb: {  	s26 =	simm.s32 $execute0_lowered;
	[smem:$0x3FD2] =	sst s25  }
0xbc: {  	s23 =	sshll.u32 s26, $0x1;
	_ =	strace $0x80000046;
	[dreg:$0x1] =	wrdreg $0xFFFFFFFF  }
0xbd: {  	s28 =	simm.s32 $_size_execute0_lowered;
	s21 =	sadd.s32 s21, s23;
	[dreg:$0x0] =	wrdreg $0x0  }
0xbe: {  	s23 =	sshll.u32 s28, $0x1;
	[dreg:$0x2] =	wrdreg s21  }
0xbf: {  	[dreg:$0x3] =	wrdreg s23  }
0xc0: {  	[dreg:$0x4] =	wrdreg $0xC0  }
0xc1: {  	_ =	task [dreg:s16], $0x5FFFF  }
0xc2: {  	[dreg:$0x1] =	wrdreg $0xFFFFFFFF  }
0xc3: {  	[dreg:$0x0] =	wrdreg $0x30  }
0xc4: {  	[dreg:$0x2] =	wrdreg $0x0  }
0xc5: {  	[dreg:$0x3] =	wrdreg s17  }
0xc6: {  	[dreg:$0x4] =	wrdreg s18  }
0xc7: {  	[dreg:$0x5] =	wrdreg s19  }
0xc8: {  	[dreg:$0x6] =	wrdreg s24  }
0xc9: {  	[dreg:$0x7] =	wrdreg s20  }
0xca: {  	[dreg:$0x8] =	wrdreg $0x9  }
0xcb: {  	_ =	task [dreg:s16], $0x9FFFF  }
0xcc: {  	[dreg:$0x1] =	wrdreg $0xFFFFFFFF  }
0xcd: {  	[dreg:$0x0] =	wrdreg $0x60  }
0xce: {  	[dreg:$0x2] =	wrdreg s2  }
0xcf: {  	[dreg:$0x3] =	wrdreg s3  }
0xd0: {  	[dreg:$0x4] =	wrdreg s4  }
0xd1: {  	[dreg:$0x5] =	wrdreg s5  }
0xd2: {  	[dreg:$0x6] =	wrdreg s6  }
0xd3: {  	[dreg:$0x7] =	wrdreg s7  }
0xd4: {  	[dreg:$0x8] =	wrdreg s8  }
0xd5: {  	[dreg:$0x9] =	wrdreg s9  }
0xd6: {  	[dreg:$0xa] =	wrdreg s10  }
0xd7: {  	[dreg:$0xb] =	wrdreg s11  }
0xd8: {  	[dreg:$0xc] =	wrdreg s12  }
0xd9: {  	[dreg:$0xd] =	wrdreg s13  }
0xda: {  	[dreg:$0xe] =	wrdreg s14  }
0xdb: {  	[dreg:$0xf] =	wrdreg s15  }
0xdc: {  	_ =	task.clear_ibuf [dreg:s16], $0x10FFFF;
	_ =	strace $0x90000046  }
0xdd: {  	s29 =	simm.s32 $0x9;
	_ =	strace $0x80000048  }
0xde: {  	_ =	swait.ge [sflag:s29], $0x1  }
0xdf: {  	[sflag:s29] =	ssyncadd.s32 $0xFFFFFFFF  }
0xe0: {  	_ =	strace $0x90000048  }
0xe1: {  	_ =	sfence  }
0xe2: {  	s30 =	sld [smem:$0x0];
	_ =	sdelay $0x2  }
0xe3: {  	s31 =	sshll.u32 s1, $0xD;
	s1 =	sshrl.u32 s1, $0x2  }
0xe4: {  	s3 =	sand.u32 $0x4000, s31;
	s1 =	sadd.s32 s1, s30  }
0xe5: {  	s0 =	sor.u32 s3, s0;
	s1 =	sshll.u32 s1, $0x11  }
0xe6: {  	s0 =	sor.u32 s1, s0  }
0xe7: {  	s0 =	sadd.s32 $0x8F2B, s0  }
0xe8: {  	[sflag:s0] =	ssyncadd.remote.s32 $0x1  }
0xe9: {  	_ =	sfence.sel $0xFFFF  }
0xea: {  	[dreg:$0x0] =	wrdreg $0xFFFFFFFF;
	(pc) =	sbr.abs _section_cstart, $3  }
0xeb: {  	[dreg:$0x1] =	wrdreg $0xFFFFFFFF  }
0xec: {  	_ =	task.clear_ibuf [dreg:s16], $0x2FFFF;
	_ =	strace $0x9FFFFFFF  }
0xed: {  	(tm) =	ssettm $0x7FFFFFFF  }
tec
_tile_task_arg_handler_lowered:
.L_overlay_start_1:
0x0: {  	(tag) =	ssettag $0x1  }
0x1: {  	s0 =	rddreg [dreg:$0x0]  }
0x2: {  	s1 =	rddreg [dreg:$0x1]  }
0x3: {  	s2 =	rddreg [dreg:$0x2]  }
0x4: {  	s3 =	rddreg [dreg:$0x3]  }
0x5: {  	s4 =	rddreg [dreg:$0x4]  }
0x6: {  	s5 =	rddreg [dreg:$0x5]  }
0x7: {  	s6 =	rddreg [dreg:$0x6]  }
0x8: {  	s7 =	rddreg [dreg:$0x7]  }
0x9: {  	s8 =	rddreg [dreg:$0x8]  }
0xa: {  	s9 =	rddreg [dreg:$0x9]  }
0xb: {  	s10 =	rddreg [dreg:$0xa]  }
0xc: {  	s11 =	rddreg [dreg:$0xb]  }
0xd: {  	s12 =	rddreg [dreg:$0xc]  }
0xe: {  	s13 =	rddreg [dreg:$0xd]  }
0xf: {  	[smem:s0] =	sst s1  }
0x10: {  	[smem:s0+$0x1] =	sst s2  }
0x11: {  	[smem:s0+$0x2] =	sst s3  }
0x12: {  	[smem:s0+$0x3] =	sst s4  }
0x13: {  	[smem:s0+$0x4] =	sst s5  }
0x14: {  	[smem:s0+$0x5] =	sst s6  }
0x15: {  	[smem:s0+$0x6] =	sst s7  }
0x16: {  	[smem:s0+$0x7] =	sst s8  }
0x17: {  	[smem:s0+$0x8] =	sst s9  }
0x18: {  	[smem:s0+$0x9] =	sst s10  }
0x19: {  	[smem:s0+$0xA] =	sst s11  }
0x1a: {  	[smem:s0+$0xB] =	sst s12  }
0x1b: {  	[smem:s0+$0xC] =	sst s13;
	_ =	shalt  }
.Lfunc_end2:
execute0_lowered:
.L_overlay_start_2:
0x1c: {  	(tag) =	ssettag $0x2  }
0x1d: {  	s0 =	rddreg [dreg:$0x0]  }
0x1e: {  	s1 =	rddreg [dreg:$0x1];
	s14 =	simm.s32 $0x0  }
0x1f: {  	s5 =	srdreg.scid;
	[smem:$0x7FF] =	sst s14  }
0x20: {  	s8 =	stileid.u32;
	s15 =	sld [smem:$0x0]  }
0x21: {  	s28 =	simm.s32 $0x1;
	s29 =	simm.s32 $0x80;
	s2 =	sld [smem:$0x1]  }
0x22: {  	s30 =	simm.s32 $0x3680;
	s31 =	simm.s32 $0xB680;
	s3 =	sld [smem:$0x2]  }
0x23: {  	s17 =	simm.s32 $0x3700;
	s16 =	simm.s32 $0xB700;
	s4 =	sld [smem:$0x3]  }
0x24: {  	s10 =	simm.s32 $0x0;
	s5 =	sand.u32 $0x1, s5;
	s6 =	sld [smem:$0x4]  }
0x25: {  	s8 =	sshll.u32 s8, $0x1;
	s7 =	sld [smem:$0x5];
	s23 =	ssub.s32 $0x2, s5  }
0x26: {  	s5 =	sor.u32 s5, s8;
	s8 =	simm.s32 $0xE400;
	s9 =	sshrl.u32 s23, $0x1  }
0x27: {  	s25 =	sshll.u32 s5, $0x7;
	s26 =	sshll.u32 s5, $0x4;
	s5 =	simm.s32 $0xB800  }
0x28: {  	s24 =	ssub.s32 s23, s9;
	s23 =	simm.s32 $0x400;
	s9 =	simm.s32 $0x4  }
0x29: {  	[dreg:$0xe] =	wrdreg s7;
	s18 =	sadd.s32 $0x400, s4;
	s19 =	sadd.s32 s2, s25  }
0x2a: {  	s20 =	sadd.s32 s3, s25;
	s21 =	sadd.s32 s6, s26;
	s22 =	smax.u32 s24, $0x1  }
0x2b: {  	s24 =	simm.s32 $0x8000;
	s25 =	simm.s32 $0x3600;
	s26 =	simm.s32 $0xB600  }
0x2c: {  	s2 =	simm.s32 $0x3780;
	s3 =	simm.s32 $0xB780;
	s4 =	simm.s32 $0x3800  }
0x2d: {  	s6 =	simm.s32 $0x2;
	s7 =	simm.s32 $0x3;
	_ =	strace $0x80000047  }
.LBB3_1:
0x2e: {  	[tilespmem:s14], [sflag:$0x1] =	stream.strided.gather [hbm4b:s19+s23], $0x4000, s24, s23, $0x38;
	[tilespmem:$0xE480] =	vst v63  }
0x2f: {  	s11 =	simm.s32 $0x4000  }
0x30: {  	[tilespmem:s11], [sflag:$0x2] =	stream.strided.gather [hbm4b:s20+s23], $0x4000, s24, s23, $0x38;
	[tilespmem:$0xE480] =	vst v63  }
0x31: {  	s13 =	simm.s32 $0xBC00  }
0x32: {  	[tilespmem:s13], [sflag:$0x2] =	stream.linear.gather [hbm4b:s18+s14], $0x2800, $0x38;
	[tilespmem:$0xE480] =	vst v63  }
0x33: {  	_ =	swait.ge [sflag:s28], $0x4000  }
0x34: {  	[sflag:s28] =	ssyncset.done $0x0  }
0x35: {  	s11 =	simm.s32 $0x0;
	[sflag:s28] =	ssyncadd.s32 $0xFFFFC000  }
.LBB3_2:
0x36: {  	p0 =	sne.s32 s11, $0x6200  }
.Ltmp0:
0x37: {  	_ = 	snop;
	(pc) =	sbr.rel @p0 .LBB3_2-.Ltmp0, $4  }
0x38: {  	_ = 	snop  }
0x39: {  	s12 =	sshra.s32 s11, $0x2  }
0x3a: {  	s11 =	sadd.s32 $0x200, s11;
	s13 =	sadd.s32 $0x8000, s12  }
0x3b: {  	[tilespmem:s13], [sflag:$0x3] =	stream.indirect.gather [hbm4b:s0+s29], $0x1, s12, s29, $0xb8;
	[tilespmem:$0xE480] =	vst v63  }
0x3c: {  	s11 =	simm.s32 $0x200;
	s12 =	simm.s32 $0x9900;
	s13 =	simm.s32 $0x1900  }
.LBB3_4:
0x3d: {  	[tilespmem:s12], [sflag:$0x3] =	stream.indirect.gather [hbm4b:s1+s29], $0x1, s13, s29, $0xb8;
	[tilespmem:$0xE480] =	vst v63  }
0x3e: {  	s12 =	smov.u32 s11;
	p0 =	sne.s32 s11, $0x6200  }
.Ltmp1:
0x3f: {  	s11 =	sadd.s32 $0x200, s11;
	(pc) =	sbr.rel @p0 .LBB3_4-.Ltmp1, $3  }
0x40: {  	_ =	sdelay $0x1  }
0x41: {  	s13 =	sshra.s32 s12, $0x2  }
0x42: {  	s12 =	sadd.s32 $0x9900, s13;
	s13 =	sadd.s32 $0x1900, s13  }
0x43: {  	[tilespmem:s12], [sflag:$0x3] =	stream.indirect.gather [hbm4b:s1+s29], $0x1, s13, s29, $0xb8;
	[tilespmem:$0xE480] =	vst v63  }
0x44: {  	s11 =	rddreg [dreg:$0x2];
	s12 =	simm.s32 $0x3200;
	s13 =	simm.s32 $0xB200  }
0x45: {  	[tilespmem:s13], [sflag:$0x3] =	stream.indirect.gather [hbm4b:s11+s29], $0x1, s12, s29, $0xb8;
	[tilespmem:$0xE480] =	vst v63  }
0x46: {  	s11 =	rddreg [dreg:$0x3];
	s12 =	simm.s32 $0x3280;
	s13 =	simm.s32 $0xB280  }
0x47: {  	[tilespmem:s13], [sflag:$0x3] =	stream.indirect.gather [hbm4b:s11+s29], $0x1, s12, s29, $0xb8;
	[tilespmem:$0xE480] =	vst v63  }
0x48: {  	s11 =	rddreg [dreg:$0x4];
	s12 =	simm.s32 $0x3300;
	s13 =	simm.s32 $0xB300  }
0x49: {  	[tilespmem:s13], [sflag:$0x3] =	stream.indirect.gather [hbm4b:s11+s29], $0x1, s12, s29, $0xb8;
	[tilespmem:$0xE480] =	vst v63  }
0x4a: {  	s11 =	rddreg [dreg:$0x5];
	s12 =	simm.s32 $0x3380;
	s13 =	simm.s32 $0xB380  }
0x4b: {  	[tilespmem:s13], [sflag:$0x3] =	stream.indirect.gather [hbm4b:s11+s29], $0x1, s12, s29, $0xb8;
	[tilespmem:$0xE480] =	vst v63  }
0x4c: {  	s11 =	rddreg [dreg:$0x6];
	s12 =	simm.s32 $0x3400;
	s13 =	simm.s32 $0xB400  }
0x4d: {  	[tilespmem:s13], [sflag:$0x3] =	stream.indirect.gather [hbm4b:s11+s29], $0x1, s12, s29, $0xb8;
	[tilespmem:$0xE480] =	vst v63  }
0x4e: {  	s11 =	rddreg [dreg:$0x7];
	s12 =	simm.s32 $0x3480;
	s13 =	simm.s32 $0xB480  }
0x4f: {  	[tilespmem:s13], [sflag:$0x3] =	stream.indirect.gather [hbm4b:s11+s29], $0x1, s12, s29, $0xb8;
	[tilespmem:$0xE480] =	vst v63  }
0x50: {  	s11 =	rddreg [dreg:$0x8];
	s12 =	simm.s32 $0x3500;
	s13 =	simm.s32 $0xB500  }
0x51: {  	[tilespmem:s13], [sflag:$0x3] =	stream.indirect.gather [hbm4b:s11+s29], $0x1, s12, s29, $0xb8;
	[tilespmem:$0xE480] =	vst v63  }
0x52: {  	s11 =	rddreg [dreg:$0x9];
	s12 =	simm.s32 $0x3580;
	s13 =	simm.s32 $0xB580  }
0x53: {  	[tilespmem:s13], [sflag:$0x3] =	stream.indirect.gather [hbm4b:s11+s29], $0x1, s12, s29, $0xb8;
	[tilespmem:$0xE480] =	vst v63  }
0x54: {  	s13 =	rddreg [dreg:$0xa]  }
0x55: {  	[tilespmem:s26], [sflag:$0x3] =	stream.indirect.gather [hbm4b:s13+s29], $0x1, s25, s29, $0xb8;
	[tilespmem:$0xE480] =	vst v63  }
0x56: {  	s12 =	rddreg [dreg:$0xb]  }
0x57: {  	[tilespmem:s31], [sflag:$0x3] =	stream.indirect.gather [hbm4b:s12+s29], $0x1, s30, s29, $0xb8;
	[tilespmem:$0xE480] =	vst v63  }
0x58: {  	s13 =	rddreg [dreg:$0xc]  }
0x59: {  	[tilespmem:s16], [sflag:$0x3] =	stream.indirect.gather [hbm4b:s13+s29], $0x1, s17, s29, $0xb8;
	[tilespmem:$0xE480] =	vst v63  }
0x5a: {  	s12 =	rddreg [dreg:$0xd]  }
0x5b: {  	[tilespmem:s3], [sflag:$0x3] =	stream.indirect.gather [hbm4b:s12+s29], $0x1, s2, s29, $0xb8;
	[tilespmem:$0xE480] =	vst v63  }
0x5c: {  	_ = 	snop  }
0x5d: {  	[tilespmem:s5], [sflag:$0x3] =	stream.indirect.gather [hbm4b:s15+s29], $0x1, s4, s29, $0xb8;
	[tilespmem:$0xE480] =	vst v63  }
0x5e: {  	_ =	swait.ge [sflag:s6], $0x4000  }
0x5f: {  	[sflag:s6] =	ssyncset.done $0x0  }
0x60: {  	[sflag:s6] =	ssyncadd.s32 $0xFFFFC000  }
0x61: {  	_ =	swait.ge [sflag:s6], $0x2800  }
0x62: {  	[sflag:s6] =	ssyncset.done $0x0  }
0x63: {  	s13 =	simm.s32 $0x0;
	[sflag:s6] =	ssyncadd.s32 $0xFFFFD800  }
0x64: {  	v0 =	vld [tilespmem:s13+$0xBC00]  }
0x65: {  	v1 =	vld [tilespmem:s13+$0x4070]  }
0x66: {  	v2 =	vld [tilespmem:s13+$0x4000]  }
0x67: {  	v4 =	vld [tilespmem:s13+$0x4010]  }
0x68: {  	v5 =	vld [tilespmem:s13+$0x4020];
	_ =	sdelay $0x1  }
0x69: {  	v11 =	vld [tilespmem:s13+$0x4030]  }
0x6a: {  	v3 =	vimm.f32 $0.0e+00;
	v9 =	vimm.f32 $0.0e+00;
	v8 =	vimm.f32 $0.0e+00;
	v12 =	vld [tilespmem:s13+$0x4040]  }
0x6b: {  	v7 =	vimm.f32 $0.0e+00;
	v10 =	vld [tilespmem:s13+$0x4050];
	v1 =	vmul.f32 v1, v0;
	v2 =	vmul.f32 v2, v0  }
0x6c: {  	s11 =	simm.s32 $0x80;
	v13 =	vld [tilespmem:s13+$0x4060];
	v14 =	vmul.f32 v4, v0;
	v15 =	vmul.f32 v5, v0;
	v4 =	vimm.f32 $0.0e+00  }
0x6d: {  	s12 =	simm.s32 $0x400;
	v6 =	vld [tilespmem:s11+$0xBC00];
	v5 =	vimm.f32 $0.0e+00;
	v1 =	vadd.f32 v1, v3;
	v2 =	vadd.f32 v2, v3  }
.LBB3_6:
0x6e: {  	p0 =	sne.s32 s12, $0x8E00;
	v16 =	vld [tilespmem:s11+$0x4070];
	v3 =	vadd.f32 v14, v3;
	v11 =	vmul.f32 v11, v0  }
0x6f: {  	v14 =	vld [tilespmem:s11+$0x4000];
	v9 =	vadd.f32 v15, v9;
	v12 =	vmul.f32 v12, v0  }
0x70: {  	v15 =	vld [tilespmem:s11+$0x4010];
	v8 =	vadd.f32 v11, v8;
	v10 =	vmul.f32 v10, v0  }
0x71: {  	v17 =	vld [tilespmem:s11+$0x4020];
	v7 =	vadd.f32 v12, v7;
	v13 =	vmul.f32 v13, v0  }
.Ltmp2:
0x72: {  	v11 =	vld [tilespmem:s11+$0x4030];
	v4 =	vadd.f32 v10, v4;
	v0 =	vmov v6;
	(pc) =	sbr.rel @p0 .LBB3_6-.Ltmp2, $4  }
0x73: {  	v12 =	vld [tilespmem:s11+$0x4040];
	v6 =	vmul.f32 v16, v0;
	v5 =	vadd.f32 v13, v5  }
0x74: {  	v16 =	vmul.f32 v14, v0;
	v10 =	vld [tilespmem:s11+$0x4050]  }
0x75: {  	v14 =	vmul.f32 v15, v0;
	v13 =	vld [tilespmem:s11+$0x4060];
	s11 =	sshra.s32 s12, $0x2;
	v1 =	vadd.f32 v6, v1  }
0x76: {  	s12 =	sadd.s32 $0x200, s12;
	v6 =	vld [tilespmem:s11+$0xBC00];
	v2 =	vadd.f32 v16, v2;
	v15 =	vmul.f32 v17, v0  }
0x77: {  	v16 =	vld [tilespmem:s11+$0x4070]  }
0x78: {  	v17 =	vld [tilespmem:s11+$0x4000]  }
0x79: {  	v18 =	vld [tilespmem:s11+$0x4010]  }
0x7a: {  	v19 =	vld [tilespmem:s11+$0x4020]  }
0x7b: {  	v20 =	vld [tilespmem:s11+$0x4030]  }
0x7c: {  	v11 =	vmul.f32 v11, v0;
	v21 =	vld [tilespmem:s11+$0x4040]  }
0x7d: {  	v3 =	vadd.f32 v14, v3;
	v59 =	vld [tilespmem:s11+$0x4050];
	v9 =	vadd.f32 v15, v9;
	v12 =	vmul.f32 v12, v0  }
0x7e: {  	v60 =	vld [tilespmem:s11+$0x4060];
	v8 =	vadd.f32 v11, v8;
	v10 =	vmul.f32 v10, v0;
	v0 =	vmul.f32 v13, v0  }
0x7f: {  	v12 =	vadd.f32 v12, v7;
	v7 =	vmul.f32 v16, v6;
	v61 =	vmul.f32 v17, v6  }
0x80: {  	v10 =	vadd.f32 v10, v4;
	v62 =	vadd.f32 v0, v5;
	v4 =	vmul.f32 v18, v6  }
0x81: {  	v0 =	vadd.f32 v7, v1;
	v7 =	vadd.f32 v61, v2;
	v1 =	vmul.f32 v19, v6  }
0x82: {  	v4 =	vadd.f32 v4, v3;
	v2 =	vmul.f32 v20, v6;
	v3 =	vmul.f32 v21, v6  }
0x83: {  	v63 =	vmul.f32 v60, v6;
	v5 =	vadd.f32 v1, v9;
	v1 =	vmul.f32 v59, v6  }
0x84: {  	v6 =	vadd.f32 v2, v8;
	v3 =	vadd.f32 v3, v12  }
0x85: {  	s11 =	simm.s32 $0x71;
	v2 =	vadd.f32 v1, v10;
	v1 =	vadd.f32 v63, v62  }
.LBB3_8:
0x86: {  	p0 =	sne.s32 s11, $0x1  }
.Ltmp3:
0x87: {  	_ = 	snop;
	(pc) =	sbr.rel @p0 .LBB3_8-.Ltmp3, $4  }
0x88: {  	_ = 	snop  }
0x89: {  	_ =	swait.ge [sflag:s7], $0x80  }
0x8a: {  	[sflag:s7] =	ssyncset.done $0x0  }
0x8b: {  	s11 =	sadd.s32 $0xFFFFFFFF, s11;
	[sflag:s7] =	ssyncadd.s32 $0xFFFFFF80  }
0x8c: {  	s13 =	simm.s32 $0x0  }
0x8d: {  	v8 =	vld [tilespmem:s13+$0x8070]  }
0x8e: {  	v10 =	vld [tilespmem:s13+$0x8000]  }
0x8f: {  	v12 =	vld [tilespmem:s13+$0x8010]  }
0x90: {  	v13 =	vld [tilespmem:s13+$0x8020]  }
0x91: {  	v16 =	vld [tilespmem:s13+$0x8030]  }
0x92: {  	v11 =	vimm.f32 $0.0e+00;
	v17 =	vimm.f32 $0.0e+00;
	v14 =	vld [tilespmem:s13+$0x8040]  }
0x93: {  	v18 =	vimm.f32 $0.0e+00;
	v15 =	vimm.f32 $0.0e+00;
	v19 =	vld [tilespmem:s13+$0x8050];
	v9 =	vadd.f32 v8, v11  }
0x94: {  	s11 =	simm.s32 $0x80;
	s12 =	simm.s32 $0x400;
	v20 =	vld [tilespmem:s13+$0x8060];
	v8 =	vadd.f32 v10, v11;
	v10 =	vadd.f32 v12, v11;
	v12 =	vimm.f32 $0.0e+00  }
.LBB3_10:
0x95: {  	p0 =	sne.s32 s12, $0xE000;
	v21 =	vld [tilespmem:s11+$0x8070];
	v11 =	vadd.f32 v13, v11  }
0x96: {  	v22 =	vld [tilespmem:s11+$0x8000];
	v12 =	vadd.f32 v16, v12  }
0x97: {  	v23 =	vld [tilespmem:s11+$0x8010];
	v17 =	vadd.f32 v14, v17  }
.Ltmp4:
0x98: {  	v13 =	vld [tilespmem:s11+$0x8020];
	v18 =	vadd.f32 v19, v18;
	(pc) =	sbr.rel @p0 .LBB3_10-.Ltmp4, $4  }
0x99: {  	v16 =	vld [tilespmem:s11+$0x8030];
	v15 =	vadd.f32 v20, v15  }
0x9a: {  	v14 =	vld [tilespmem:s11+$0x8040];
	v9 =	vadd.f32 v21, v9  }
0x9b: {  	v8 =	vadd.f32 v22, v8;
	v19 =	vld [tilespmem:s11+$0x8050]  }
0x9c: {  	v10 =	vadd.f32 v23, v10;
	v20 =	vld [tilespmem:s11+$0x8060];
	s11 =	sshra.s32 s12, $0x2;
	s12 =	sadd.s32 $0x200, s12  }
0x9d: {  	v21 =	vld [tilespmem:s11+$0x8070]  }
0x9e: {  	v22 =	vld [tilespmem:s11+$0x8000]  }
0x9f: {  	v23 =	vld [tilespmem:s11+$0x8010]  }
0xa0: {  	v24 =	vld [tilespmem:s11+$0x8020]  }
0xa1: {  	v25 =	vld [tilespmem:s11+$0x8030]  }
0xa2: {  	v26 =	vld [tilespmem:s11+$0x8040]  }
0xa3: {  	v27 =	vld [tilespmem:s11+$0x8050]  }
0xa4: {  	v11 =	vadd.f32 v13, v11;
	v58 =	vld [tilespmem:$0xE000];
	v12 =	vadd.f32 v16, v12  }
0xa5: {  	v60 =	vld [tilespmem:$0xE080];
	v14 =	vadd.f32 v14, v17;
	v59 =	vadd.f32 v19, v18  }
0xa6: {  	v61 =	vld [tilespmem:s11+$0x8060];
	v15 =	vadd.f32 v20, v15;
	v9 =	vadd.f32 v21, v9  }
0xa7: {  	v8 =	vadd.f32 v22, v8;
	v10 =	vadd.f32 v23, v10  }
0xa8: {  	v7 =	vmul.f32 $9.995003930e-01, v7;
	v11 =	vadd.f32 v24, v11;
	v12 =	vadd.f32 v25, v12  }
0xa9: {  	v4 =	vmul.f32 $9.995003930e-01, v4;
	v14 =	vadd.f32 v26, v14;
	v16 =	vadd.f32 v27, v59  }
0xaa: {  	v5 =	vmul.f32 $9.995003930e-01, v5;
	v13 =	vadd.f32 v60, v58;
	v7 =	vadd.f32 v8, v7  }
0xab: {  	v6 =	vmul.f32 $9.995003930e-01, v6;
	v62 =	vadd.f32 v61, v15;
	v4 =	vadd.f32 v10, v4  }
0xac: {  	v3 =	vmul.f32 $9.995003930e-01, v3;
	v5 =	vadd.f32 v11, v5;
	v7 =	vadd.f32 v13, v7  }
0xad: {  	v2 =	vmul.f32 $9.995003930e-01, v2;
	v6 =	vadd.f32 v12, v6;
	v4 =	vadd.f32 v13, v4  }
0xae: {  	v0 =	vmul.f32 $9.995003930e-01, v0;
	v3 =	vadd.f32 v14, v3;
	v5 =	vadd.f32 v13, v5;
	[tilespmem:$0xE400] =	vst v7  }
0xaf: {  	v1 =	vmul.f32 $9.995003930e-01, v1;
	v2 =	vadd.f32 v16, v2;
	v63 =	vadd.f32 v13, v6;
	[tilespmem:$0xE410] =	vst v4  }
0xb0: {  	v0 =	vadd.f32 v9, v0;
	v3 =	vadd.f32 v13, v3;
	[tilespmem:$0xE420] =	vst v5  }
0xb1: {  	v1 =	vadd.f32 v62, v1;
	v2 =	vadd.f32 v13, v2;
	[tilespmem:$0xE430] =	vst v63  }
0xb2: {  	v0 =	vadd.f32 v13, v0;
	[tilespmem:$0xE440] =	vst v3  }
0xb3: {  	s10 =	sadd.s32 $0x1, s10;
	v1 =	vadd.f32 v13, v1;
	[tilespmem:$0xE450] =	vst v2  }
0xb4: {  	p0 =	sne.s32 s10, s22;
	[tilespmem:$0xE470] =	vst v0  }
.Ltmp5:
0xb5: {  	[tilespmem:$0xE460] =	vst v1;
	(pc) =	sbr.rel @p0 .LBB3_1-.Ltmp5, $4  }
0xb6: {  	[hbm4b:s21+s14] =	stream.linear.scatter [tilespmem:s8], [sflag:$0x4], $0x80, $0x38;
	[tilespmem:$0xE480] =	vst v63  }
0xb7: {  	_ =	swait.ge [sflag:s9], $0x80  }
0xb8: {  	[sflag:s9] =	ssyncset.done $0x0  }
0xb9: {  	[sflag:s9] =	ssyncadd.s32 $0xFFFFFF80  }
0xba: {  	_ =	sfence.sel $0x180000  }
0xbb: {  	[bflag:$0x0] =	sbarrier.arrive $0xFFFF  }
0xbc: {  	_ =	strace $0x90000047  }
0xbd: {  	s0 =	stileid.u32;
	[bflag:$0x2] =	sbarrier.arrive $0xFFFF  }
0xbe: {  	p0 =	sne.s32 s0, $0x0;
	s0 =	rddreg [dreg:$0xe]  }
0xbf: {  	s0 =	sadd.s32 @!p0 $0x100000, s0  }
0xc0: {  	[sflag:s0] =	ssyncadd.tile.s32 @!p0 $0x1;
	_ =	shalt  }
.Lfunc_end3:
_tile_overlayer_lowered:
.L_overlay_start_3:
0xc1: {  	(tag) =	ssettag $0x3  }
0xc2: {  	s0 =	rddreg [dreg:$0x0];
	s2 =	stileid.u32  }
0xc3: {  	s1 =	rddreg [dreg:$0x1];
	p0 =	sne.s32 s2, $0x0  }
0xc4: {  	s3 =	rddreg [dreg:$0x2];
	[bflag:$0x3] =	sbarrier.arrive $0xFFFF;
	s2 =	simm.s32 @!p0 $0x1C04  }
0xc5: {  	[timem:s3], [sflag:s2] =	dma.local @!p0 [hbm:s0], s1  }
0xc6: {  	s0 =	simm.s32 @!p0 $0x4  }
0xc7: {  	_ =	swait.ge @!p0 [sflag:s0], s1  }
0xc8: {  	s1 =	ssub.s32 @!p0 $0x0, s1;
	[sflag:s0] =	ssyncset.done @!p0 $0x0  }
0xc9: {  	[sflag:s0] =	ssyncadd.s32 @!p0 s1  }
0xca: {  	[bflag:$0x3] =	sbarrier.arrive $0xFFFF  }
0xcb: {  	_ =	shalt  }

</sc_bundles>
